<compile_context>
chip_gen: v7x
topology: tpu7x:2x2x1
jax: 0.10.2.dev20260603
libtpu: 0.0.44.dev20260713+nightly
codegen_flags: <defaults>
</compile_context>

<pallas_src>
import functools

import jax
import jax.numpy as jnp
from jax import lax
from jax.experimental import pallas as pl
from jax.experimental.pallas import tpu as pltpu
from jax.experimental.pallas import tpu_sc as plsc

B, S, D, E = 2, 2048, 1024, 8
T = B * S
TM = 512
NT = T // TM
NI = NT + E - 1
TB = 512
NC, NS = 2, 16
NW = NC * NS
NB = T // NW
CH = 32
_SC_MESH = functools.partial(
    plsc.VectorSubcoreMesh, core_axis_name="c", subcore_axis_name="s")
_SC_PARAMS = pltpu.CompilerParams(needs_layout_passes=False)


def _router_body(x_ref, wr_ref, br_ref,
                 rank_ref, idx_ref, w_ref, cnt_ref, offs_ref,
                 carry):
    i = pl.program_id(0)

    @pl.when(i == 0)
    def _():
        carry[...] = jnp.zeros_like(carry)

    xb = x_ref[...]
    logits = lax.dot_general(xb, wr_ref[...], (((1,), (1,)), ((), ())),
                             preferred_element_type=jnp.float32)
    logits = logits + br_ref[...]
    m = jnp.max(logits, axis=-1, keepdims=True)
    s = jnp.sum(jnp.exp(logits - m), axis=-1, keepdims=True)
    w_ref[...] = (1.0 / s).reshape(1, TB)
    ecol = lax.broadcasted_iota(jnp.int32, (TB, E), 1)
    idxv = jnp.min(jnp.where(logits == m, ecol, E), axis=-1, keepdims=True)
    idx_ref[...] = idxv.reshape(1, TB)
    oh = (idxv == ecol).astype(jnp.float32)
    rr = lax.broadcasted_iota(jnp.int32, (TB, TB), 0)
    rc = lax.broadcasted_iota(jnp.int32, (TB, TB), 1)
    lt = (rr > rc).astype(jnp.float32)
    rank = jnp.dot(lt, oh, preferred_element_type=jnp.float32) + carry[...]
    rank_ref[...] = jnp.sum(rank * oh, axis=-1,
                            keepdims=True).astype(jnp.int32).reshape(1, TB)
    total = carry[...] + jnp.sum(oh, axis=0, keepdims=True)
    carry[...] = total

    @pl.when(i == T // TB - 1)
    def _():
        cnt = jnp.concatenate([total, jnp.zeros((1, 16 - E), jnp.float32)],
                              axis=1)
        cnt_ref[...] = cnt.astype(jnp.int32)
        er = lax.broadcasted_iota(jnp.int32, (E, E), 0)
        ec = lax.broadcasted_iota(jnp.int32, (E, E), 1)
        offs = jnp.sum(total.reshape(E, 1) * (er < ec).astype(jnp.float32),
                       axis=0, keepdims=True)
        offs_ref[...] = offs.astype(jnp.int32)


def _router(xf, Wr, br):
    nb = T // TB
    return pl.pallas_call(
        _router_body,
        grid=(nb,),
        in_specs=[
            pl.BlockSpec((TB, D), lambda i: (i, 0)),
            pl.BlockSpec((E, D), lambda i: (0, 0)),
            pl.BlockSpec((1, E), lambda i: (0, 0)),
        ],
        out_specs=[
            pl.BlockSpec((1, TB), lambda i: (0, i)),
            pl.BlockSpec((1, TB), lambda i: (0, i)),
            pl.BlockSpec((1, TB), lambda i: (0, i)),
            pl.BlockSpec((1, 16), lambda i: (0, 0)),
            pl.BlockSpec((1, E), lambda i: (0, 0)),
        ],
        out_shape=[
            jax.ShapeDtypeStruct((1, T), jnp.int32),
            jax.ShapeDtypeStruct((1, T), jnp.int32),
            jax.ShapeDtypeStruct((1, T), jnp.float32),
            jax.ShapeDtypeStruct((1, 16), jnp.int32),
            jax.ShapeDtypeStruct((1, E), jnp.int32),
        ],
        scratch_shapes=[pltpu.VMEM((1, E), jnp.float32)],
        compiler_params=pltpu.CompilerParams(
            dimension_semantics=("arbitrary",)),
    )(xf, Wr, br.reshape(1, E))


def _dispatch_body(x_hbm, rank_hbm, idx_hbm, w_hbm, cnt_hbm,
                   tok_out, ws_out, pos_out, xs_out,
                   rank_v, idx_v, w_v, offs_v, tok_v, ws_v, pos_v,
                   tok_sh, gidx_v, rows_v, sem):
    c = lax.axis_index("c")
    s = lax.axis_index("s")

    @pl.when(s == 0)
    def _():
        pltpu.sync_copy(rank_hbm, rank_v)
        pltpu.sync_copy(idx_hbm, idx_v)
        pltpu.sync_copy(w_hbm, w_v)
        pltpu.sync_copy(cnt_hbm, offs_v)
        c16 = offs_v[...]
        offs_v[...] = jnp.cumsum(c16) - c16

        def body(i, carry):
            sl = pl.ds(i * 16, 16)
            i16 = idx_v[sl]
            o16 = plsc.load_gather(offs_v, [i16])
            p16 = o16 + rank_v[sl]
            pos_v[sl] = p16
            plsc.store_scatter(tok_v, [p16], lax.iota(jnp.int32, 16) + i * 16)
            plsc.store_scatter(ws_v, [p16], w_v[sl])
            return carry

        lax.fori_loop(0, T // 16, body, 0)
        pltpu.sync_copy(tok_v, tok_sh)

        @pl.when(c == 0)
        def _():
            pltpu.sync_copy(tok_v, tok_out)
            pltpu.sync_copy(ws_v, ws_out)
            pltpu.sync_copy(pos_v, pos_out)

    plsc.subcore_barrier()
    wid = s * NC + c
    base = wid * NB
    nch = NB // CH
    waits = []
    for j in range(nch):
        b = j % 2
        if j >= 2:
            waits[j - 2].wait()
            pltpu.sync_copy(rows_v.at[j % 2],
                            xs_out.at[pl.ds(base + (j - 2) * CH, CH)])
        pltpu.sync_copy(tok_sh.at[pl.ds(base + j * CH, CH)], gidx_v.at[b])
        waits.append(pltpu.async_copy(x_hbm.at[gidx_v.at[b]],
                                      rows_v.at[b], sem))
    for j in range(max(nch - 2, 0), nch):
        waits[j].wait()
        pltpu.sync_copy(rows_v.at[j % 2],
                        xs_out.at[pl.ds(base + j * CH, CH)])


def _dispatch(xf, rank, idx, w, cnt):
    return pl.kernel(
        _dispatch_body,
        mesh=_SC_MESH(),
        compiler_params=_SC_PARAMS,
        out_type=[
            jax.ShapeDtypeStruct((T,), jnp.int32),
            jax.ShapeDtypeStruct((T,), jnp.float32),
            jax.ShapeDtypeStruct((T,), jnp.int32),
            jax.ShapeDtypeStruct((T, D), jnp.float32),
        ],
        scratch_types=[
            pltpu.VMEM((T,), jnp.int32),
            pltpu.VMEM((T,), jnp.int32),
            pltpu.VMEM((T,), jnp.float32),
            pltpu.VMEM((16,), jnp.int32),
            pltpu.VMEM((T,), jnp.int32),
            pltpu.VMEM((T,), jnp.float32),
            pltpu.VMEM((T,), jnp.int32),
            pltpu.VMEM_SHARED((T,), jnp.int32),
            pltpu.VMEM((2, CH), jnp.int32),
            pltpu.VMEM((2, CH, D), jnp.float32),
            pltpu.SemaphoreType.DMA,
        ],
    )(xf, rank, idx, w, cnt)


def _make_items(offs_full):
    tl = jnp.arange(NT, dtype=jnp.int32) * TM
    lo = jnp.sum((offs_full[1:][None, :] <= tl[:, None]).astype(jnp.int32),
                 axis=1)
    hi = jnp.sum((offs_full[1:][None, :] <= (tl + TM - 1)[:, None])
                 .astype(jnp.int32), axis=1)
    starts = jnp.concatenate(
        [jnp.zeros((1,), jnp.int32), jnp.cumsum(hi - lo + 1)])
    total = starts[NT]
    k = jnp.arange(NI, dtype=jnp.int32)
    tile_k = jnp.clip(
        jnp.sum((starts[None, :] <= k[:, None]).astype(jnp.int32), axis=1) - 1,
        0, NT - 1)
    exp_k = jnp.clip(lo[tile_k] + (k - starts[tile_k]),
                     lo[tile_k], hi[tile_k])
    valid_k = (k < total).astype(jnp.int32)
    return tile_k, exp_k, valid_k


def _mm_body(tile_ref, exp_ref, valid_ref, offs_ref,
             x_ref, w_ref, we_ref, be_ref, out_ref):
    k = pl.program_id(0)
    tk = tile_ref[k]
    e = exp_ref[k]
    base = tk * TM

    @pl.when(jnp.logical_or(k == 0, tk != tile_ref[jnp.maximum(k - 1, 0)]))
    def _():
        out_ref[...] = jnp.zeros_like(out_ref)

    @pl.when(valid_ref[k] == 1)
    def _():
        start = offs_ref[e]
        end = offs_ref[e + 1]
        y = lax.dot_general(x_ref[...], we_ref[0], (((1,), (1,)), ((), ())),
                            preferred_element_type=jnp.float32)
        y = y + be_ref[0]
        p = base + lax.broadcasted_iota(jnp.int32, (TM, 1), 0)
        inr = jnp.logical_and(p >= start, p < end)
        scale = jnp.where(inr, w_ref[0, 0].reshape(TM, 1), 0.0)
        out_ref[...] += y * scale


def _expert_mm(xs, ws, offs_full, We, be):
    tile_k, exp_k, valid_k = _make_items(offs_full)
    grid_spec = pltpu.PrefetchScalarGridSpec(
        num_scalar_prefetch=4,
        grid=(NI,),
        in_specs=[
            pl.BlockSpec((TM, D), lambda k, t, e, v, o: (t[k], 0)),
            pl.BlockSpec((1, 1, TM), lambda k, t, e, v, o: (t[k], 0, 0)),
            pl.BlockSpec((1, D, D), lambda k, t, e, v, o: (e[k], 0, 0)),
            pl.BlockSpec((1, 1, D), lambda k, t, e, v, o: (e[k], 0, 0)),
        ],
        out_specs=pl.BlockSpec((TM, D), lambda k, t, e, v, o: (t[k], 0)),
    )
    return pl.pallas_call(
        _mm_body,
        grid_spec=grid_spec,
        out_shape=jax.ShapeDtypeStruct((T, D), jnp.float32),
        compiler_params=pltpu.CompilerParams(
            dimension_semantics=("arbitrary",)),
    )(tile_k, exp_k, valid_k, offs_full,
      xs, ws.reshape(NT, 1, TM), We, be.reshape(E, 1, D))


CHD = 32


def _combine_body(y_hbm, pos_hbm, out_hbm, gidx_v, rows_v, sem):
    wid = lax.axis_index("s") * NC + lax.axis_index("c")
    base = wid * NB
    nch = NB // CHD
    waits = []
    for j in range(nch):
        b = j % 2
        if j >= 2:
            waits[j - 2].wait()
            pltpu.sync_copy(rows_v.at[b],
                            out_hbm.at[pl.ds(base + (j - 2) * CHD, CHD)])
        pltpu.sync_copy(pos_hbm.at[pl.ds(base + j * CHD, CHD)], gidx_v.at[b])
        waits.append(pltpu.async_copy(y_hbm.at[gidx_v.at[b]],
                                      rows_v.at[b], sem))
    for j in range(max(nch - 2, 0), nch):
        waits[j].wait()
        pltpu.sync_copy(rows_v.at[j % 2],
                        out_hbm.at[pl.ds(base + j * CHD, CHD)])


def _combine_rows(ys, pos):
    return pl.kernel(
        _combine_body,
        mesh=_SC_MESH(),
        compiler_params=_SC_PARAMS,
        out_type=jax.ShapeDtypeStruct((T, D), jnp.float32),
        scratch_types=[
            pltpu.VMEM((2, CHD), jnp.int32),
            pltpu.VMEM((2, CHD, D), jnp.float32),
            pltpu.SemaphoreType.DMA,
        ],
    )(ys, pos)


def kernel(x, Wr, br, We, be):
    xf = x.reshape(T, D)
    rank, idx, w, cnt, offs = _router(xf, Wr, br)
    offs_full = jnp.concatenate(
        [offs.reshape(E), jnp.full((1,), T, jnp.int32)])
    tok, ws, pos, xs = _dispatch(xf, rank.reshape(T), idx.reshape(T),
                                 w.reshape(T), cnt.reshape(16))
    del tok
    ys = _expert_mm(xs, ws, offs_full, We, be)
    out = _combine_rows(ys, pos)
    return out.reshape(B, S, D)

# --- scband reference (transcript-rebuilt; emitter-appended) ---
"""Pipeline reference for scband-optimized-mo-e-31086973288516 (READ-ONLY COPY).

The authoritative reference and input builder live on the scoring server;
editing this copy changes nothing except your own understanding.
"""

import jax, jax.numpy as jnp
import numpy as np

B, S, D, E = 2, 2048, 1024, 8

def setup_inputs(seed: int = 0) -> dict:
    key = jax.random.key(seed)
    ks = jax.random.split(key, 5)
    x = jax.random.normal(ks[0], (B, S, D), dtype=jnp.float32)
    # router: nn.Linear(embed_dim, num_experts)
    Wr = jax.random.normal(ks[1], (E, D), dtype=jnp.float32) * (1.0 / np.sqrt(D))
    br = jnp.zeros((E,), dtype=jnp.float32)
    # experts: num_experts x nn.Linear(embed_dim, embed_dim)
    We = jax.random.normal(ks[2], (E, D, D), dtype=jnp.float32) * (1.0 / np.sqrt(D))
    be = jnp.zeros((E, D), dtype=jnp.float32)
    return {"x": x, "Wr": Wr, "br": br, "We": We, "be": be}

def reference(x, Wr, br, We, be):
    b, s, d = x.shape
    e_num = Wr.shape[0]
    xf = x.reshape(-1, d)                      # [T, d] tokens
    # router
    router_logits = xf @ Wr.T + br             # [T, E]
    routing_probs = jax.nn.softmax(router_logits, axis=-1)
    # EPLB top-1 expert assignment: index = argmax, weight = prob at argmax
    idx = jnp.argmax(router_logits, axis=-1)   # [T] int
    w = jnp.take_along_axis(routing_probs, idx[:, None], axis=1)[:, 0]  # [T]
    # dispatch -> per-expert linear -> combine (equivalent masked dense form)
    out = jnp.zeros_like(xf)
    for e in range(e_num):
        mask = (idx == e).astype(xf.dtype)     # [T]
        ye = xf @ We[e].T + be[e]              # [T, d]
        out = out + mask[:, None] * ye
    out = out * w[:, None]                     # combine with routing weights
    # aux load-balancing loss (stored as self.aux_loss in torch; returned here unused)
    frac = jnp.mean(jax.nn.one_hot(idx, e_num, dtype=xf.dtype), axis=0)
    pmean = jnp.mean(routing_probs, axis=0)
    aux_loss = e_num * jnp.sum(frac * pmean)
    del aux_loss
    return out.reshape(b, s, d)

if __name__ == "__main__":
    import jax
    _d = setup_inputs()
    print(jax.jit(kernel)(*tuple(_d.values())))

</pallas_src>

<mosaic_0001>
#map = affine_map<(d0, d1) -> (0, 0)>
#map1 = affine_map<(d0, d1) -> (0)>
module attributes {stable_mosaic.version = 14 : i64} {
  func.func @_combine_body(%arg0: i32, %arg1: i32, %arg2: memref<4096x1024xf32, #tpu.memory_space<hbm>>, %arg3: memref<4096xi32, #tpu.memory_space<hbm>>, %arg4: memref<4096x1024xf32, #tpu.memory_space<hbm>>, %arg5: memref<2x32xi32, #tpu.memory_space<vmem>>, %arg6: memref<2x32x1024xf32, #tpu.memory_space<vmem>>, %arg7: memref<!tpu.dma_semaphore, #tpu.memory_space<semaphore_mem>>) attributes {dimension_semantics = [#tpu.dimension_semantics<core_parallel>, #tpu.dimension_semantics<subcore_parallel>], iteration_bounds = array<i64: 2, 16>, scalar_prefetch = 0 : i64, scratch_operands = 3 : i64, tpu.core_type = #tpu.core_type<sc_vector_subcore>, window_params = [{transform_indices = #map}, {transform_indices = #map1}, {transform_indices = #map}]} {
    %mul3A = arith.constant 2 : i32
    %mul3A_0 = arith.muli %arg1, %mul3A : i32
    %add3A = arith.addi %mul3A_0, %arg0 : i32
    %mul3A_1 = arith.constant 128 : i32
    %mul3A_2 = arith.muli %add3A, %mul3A_1 : i32
    %add3A_3 = arith.constant 0 : i32
    %add3A_4 = arith.addi %mul3A_2, %add3A_3 : i32
    %run_scoped3A = arith.constant 0 : i32
    "tpu.region"() ({
      %run_scoped3A_120 = tpu.sem_alloc : memref<!tpu.dma_semaphore, #tpu.memory_space<semaphore_mem>>
      %dma_start3A_121 = arith.constant 0 : i32
      %dma_start3A_122 = tpu.memref_slice %arg5[%run_scoped3A, %dma_start3A_121] : memref<2x32xi32, #tpu.memory_space<vmem>> -> memref<1x32xi32, #tpu.memory_space<vmem>>
      %dma_start3A_123 = tpu.memref_squeeze %dma_start3A_122 : memref<1x32xi32, #tpu.memory_space<vmem>> -> memref<32xi32, #tpu.memory_space<vmem>>
      %dma_start3A_124 = tpu.memref_slice %arg3[%add3A_4] : memref<4096xi32, #tpu.memory_space<hbm>> -> memref<32xi32, #tpu.memory_space<hbm>>
      %dma_start3A_125 = arith.constant 0 : i32
      %dma_start3A_126 = tpu.memref_slice %arg5[%run_scoped3A, %dma_start3A_125] : memref<2x32xi32, #tpu.memory_space<vmem>> -> memref<1x32xi32, #tpu.memory_space<vmem>>
      %dma_start3A_127 = tpu.memref_squeeze %dma_start3A_126 : memref<1x32xi32, #tpu.memory_space<vmem>> -> memref<32xi32, #tpu.memory_space<vmem>>
      %dma_start3A_128 = tpu.memref_slice %arg3[%add3A_4] : memref<4096xi32, #tpu.memory_space<hbm>> -> memref<32xi32, #tpu.memory_space<hbm>>
      tpu.enqueue_dma source(%dma_start3A_128 : memref<32xi32, #tpu.memory_space<hbm>>) target(%dma_start3A_127 : memref<32xi32, #tpu.memory_space<vmem>>) target_semaphore(%run_scoped3A_120 : memref<!tpu.dma_semaphore, #tpu.memory_space<semaphore_mem>>)
      %dma_wait3A_129 = arith.constant 0 : i32
      %dma_wait3A_130 = tpu.memref_slice %arg5[%run_scoped3A, %dma_wait3A_129] : memref<2x32xi32, #tpu.memory_space<vmem>> -> memref<1x32xi32, #tpu.memory_space<vmem>>
      %dma_wait3A_131 = tpu.memref_squeeze %dma_wait3A_130 : memref<1x32xi32, #tpu.memory_space<vmem>> -> memref<32xi32, #tpu.memory_space<vmem>>
      %dma_wait3A_132 = tpu.memref_slice %arg3[%add3A_4] : memref<4096xi32, #tpu.memory_space<hbm>> -> memref<32xi32, #tpu.memory_space<hbm>>
      %dma_wait3A_133 = arith.constant 0 : i32
      %dma_wait3A_134 = tpu.memref_slice %arg5[%run_scoped3A, %dma_wait3A_133] : memref<2x32xi32, #tpu.memory_space<vmem>> -> memref<1x32xi32, #tpu.memory_space<vmem>>
      %dma_wait3A_135 = tpu.memref_squeeze %dma_wait3A_134 : memref<1x32xi32, #tpu.memory_space<vmem>> -> memref<32xi32, #tpu.memory_space<vmem>>
      %dma_wait3A_136 = tpu.memref_slice %arg3[%add3A_4] : memref<4096xi32, #tpu.memory_space<hbm>> -> memref<32xi32, #tpu.memory_space<hbm>>
      tpu.wait_dma2 semaphore(%run_scoped3A_120 : memref<!tpu.dma_semaphore, #tpu.memory_space<semaphore_mem>>) src(%dma_wait3A_136 : memref<32xi32, #tpu.memory_space<hbm>>) dst(%dma_wait3A_135 : memref<32xi32, #tpu.memory_space<vmem>>)
      tpu.yield
    }) : () -> ()
    %dma_start3A = arith.constant 0 : i32
    %dma_start3A_5 = arith.constant 0 : i32
    %dma_start3A_6 = arith.constant 0 : i32
    %dma_start3A_7 = arith.constant 0 : i32
    %dma_start3A_8 = tpu.memref_slice %arg6[%dma_start3A_5, %dma_start3A_6, %dma_start3A_7] : memref<2x32x1024xf32, #tpu.memory_space<vmem>> -> memref<1x32x1024xf32, #tpu.memory_space<vmem>>
    %dma_start3A_9 = tpu.memref_squeeze %dma_start3A_8 : memref<1x32x1024xf32, #tpu.memory_space<vmem>> -> memref<32x1024xf32, #tpu.memory_space<vmem>>
    %dma_start3A_10 = arith.constant 0 : i32
    %dma_start3A_11 = tpu.memref_slice %arg5[%dma_start3A, %dma_start3A_10] : memref<2x32xi32, #tpu.memory_space<vmem>> -> memref<1x32xi32, #tpu.memory_space<vmem>>
    %dma_start3A_12 = tpu.memref_squeeze %dma_start3A_11 : memref<1x32xi32, #tpu.memory_space<vmem>> -> memref<32xi32, #tpu.memory_space<vmem>>
    %dma_start3A_13 = arith.constant 0 : i32
    %dma_start3A_14 = arith.constant 0 : i32
    %dma_start3A_15 = tpu.memref_slice %arg2[%dma_start3A_13, %dma_start3A_14] : memref<4096x1024xf32, #tpu.memory_space<hbm>> -> memref<4096x1024xf32, #tpu.memory_space<hbm>>
    tpu.enqueue_indirect_dma source(%dma_start3A_15 : memref<4096x1024xf32, #tpu.memory_space<hbm>>) target(%dma_start3A_9 : memref<32x1024xf32, #tpu.memory_space<vmem>>) offsets(%dma_start3A_12 : memref<32xi32, #tpu.memory_space<vmem>>) semaphore(%arg7 : memref<!tpu.dma_semaphore, #tpu.memory_space<semaphore_mem>>)
    %add3A_16 = arith.constant 32 : i32
    %add3A_17 = arith.addi %mul3A_2, %add3A_16 : i32
    %run_scoped3A_18 = arith.constant 1 : i32
    "tpu.region"() ({
      %run_scoped3A_120 = tpu.sem_alloc : memref<!tpu.dma_semaphore, #tpu.memory_space<semaphore_mem>>
      %dma_start3A_121 = arith.constant 0 : i32
      %dma_start3A_122 = tpu.memref_slice %arg5[%run_scoped3A_18, %dma_start3A_121] : memref<2x32xi32, #tpu.memory_space<vmem>> -> memref<1x32xi32, #tpu.memory_space<vmem>>
      %dma_start3A_123 = tpu.memref_squeeze %dma_start3A_122 : memref<1x32xi32, #tpu.memory_space<vmem>> -> memref<32xi32, #tpu.memory_space<vmem>>
      %dma_start3A_124 = tpu.memref_slice %arg3[%add3A_17] : memref<4096xi32, #tpu.memory_space<hbm>> -> memref<32xi32, #tpu.memory_space<hbm>>
      %dma_start3A_125 = arith.constant 0 : i32
      %dma_start3A_126 = tpu.memref_slice %arg5[%run_scoped3A_18, %dma_start3A_125] : memref<2x32xi32, #tpu.memory_space<vmem>> -> memref<1x32xi32, #tpu.memory_space<vmem>>
      %dma_start3A_127 = tpu.memref_squeeze %dma_start3A_126 : memref<1x32xi32, #tpu.memory_space<vmem>> -> memref<32xi32, #tpu.memory_space<vmem>>
      %dma_start3A_128 = tpu.memref_slice %arg3[%add3A_17] : memref<4096xi32, #tpu.memory_space<hbm>> -> memref<32xi32, #tpu.memory_space<hbm>>
      tpu.enqueue_dma source(%dma_start3A_128 : memref<32xi32, #tpu.memory_space<hbm>>) target(%dma_start3A_127 : memref<32xi32, #tpu.memory_space<vmem>>) target_semaphore(%run_scoped3A_120 : memref<!tpu.dma_semaphore, #tpu.memory_space<semaphore_mem>>)
      %dma_wait3A_129 = arith.constant 0 : i32
      %dma_wait3A_130 = tpu.memref_slice %arg5[%run_scoped3A_18, %dma_wait3A_129] : memref<2x32xi32, #tpu.memory_space<vmem>> -> memref<1x32xi32, #tpu.memory_space<vmem>>
      %dma_wait3A_131 = tpu.memref_squeeze %dma_wait3A_130 : memref<1x32xi32, #tpu.memory_space<vmem>> -> memref<32xi32, #tpu.memory_space<vmem>>
      %dma_wait3A_132 = tpu.memref_slice %arg3[%add3A_17] : memref<4096xi32, #tpu.memory_space<hbm>> -> memref<32xi32, #tpu.memory_space<hbm>>
      %dma_wait3A_133 = arith.constant 0 : i32
      %dma_wait3A_134 = tpu.memref_slice %arg5[%run_scoped3A_18, %dma_wait3A_133] : memref<2x32xi32, #tpu.memory_space<vmem>> -> memref<1x32xi32, #tpu.memory_space<vmem>>
      %dma_wait3A_135 = tpu.memref_squeeze %dma_wait3A_134 : memref<1x32xi32, #tpu.memory_space<vmem>> -> memref<32xi32, #tpu.memory_space<vmem>>
      %dma_wait3A_136 = tpu.memref_slice %arg3[%add3A_17] : memref<4096xi32, #tpu.memory_space<hbm>> -> memref<32xi32, #tpu.memory_space<hbm>>
      tpu.wait_dma2 semaphore(%run_scoped3A_120 : memref<!tpu.dma_semaphore, #tpu.memory_space<semaphore_mem>>) src(%dma_wait3A_136 : memref<32xi32, #tpu.memory_space<hbm>>) dst(%dma_wait3A_135 : memref<32xi32, #tpu.memory_space<vmem>>)
      tpu.yield
    }) : () -> ()
    %dma_start3A_19 = arith.constant 1 : i32
    %dma_start3A_20 = arith.constant 1 : i32
    %dma_start3A_21 = arith.constant 0 : i32
    %dma_start3A_22 = arith.constant 0 : i32
    %dma_start3A_23 = tpu.memref_slice %arg6[%dma_start3A_20, %dma_start3A_21, %dma_start3A_22] : memref<2x32x1024xf32, #tpu.memory_space<vmem>> -> memref<1x32x1024xf32, #tpu.memory_space<vmem>>
    %dma_start3A_24 = tpu.memref_squeeze %dma_start3A_23 : memref<1x32x1024xf32, #tpu.memory_space<vmem>> -> memref<32x1024xf32, #tpu.memory_space<vmem>>
    %dma_start3A_25 = arith.constant 0 : i32
    %dma_start3A_26 = tpu.memref_slice %arg5[%dma_start3A_19, %dma_start3A_25] : memref<2x32xi32, #tpu.memory_space<vmem>> -> memref<1x32xi32, #tpu.memory_space<vmem>>
    %dma_start3A_27 = tpu.memref_squeeze %dma_start3A_26 : memref<1x32xi32, #tpu.memory_space<vmem>> -> memref<32xi32, #tpu.memory_space<vmem>>
    %dma_start3A_28 = arith.constant 0 : i32
    %dma_start3A_29 = arith.constant 0 : i32
    %dma_start3A_30 = tpu.memref_slice %arg2[%dma_start3A_28, %dma_start3A_29] : memref<4096x1024xf32, #tpu.memory_space<hbm>> -> memref<4096x1024xf32, #tpu.memory_space<hbm>>
    tpu.enqueue_indirect_dma source(%dma_start3A_30 : memref<4096x1024xf32, #tpu.memory_space<hbm>>) target(%dma_start3A_24 : memref<32x1024xf32, #tpu.memory_space<vmem>>) offsets(%dma_start3A_27 : memref<32xi32, #tpu.memory_space<vmem>>) semaphore(%arg7 : memref<!tpu.dma_semaphore, #tpu.memory_space<semaphore_mem>>)
    %dma_wait3A = arith.constant 0 : i32
    %dma_wait3A_31 = arith.constant 0 : i32
    %dma_wait3A_32 = arith.constant 0 : i32
    %dma_wait3A_33 = arith.constant 0 : i32
    %dma_wait3A_34 = tpu.memref_slice %arg6[%dma_wait3A_31, %dma_wait3A_32, %dma_wait3A_33] : memref<2x32x1024xf32, #tpu.memory_space<vmem>> -> memref<1x32x1024xf32, #tpu.memory_space<vmem>>
    %dma_wait3A_35 = tpu.memref_squeeze %dma_wait3A_34 : memref<1x32x1024xf32, #tpu.memory_space<vmem>> -> memref<32x1024xf32, #tpu.memory_space<vmem>>
    %dma_wait3A_36 = arith.constant 0 : i32
    %dma_wait3A_37 = tpu.memref_slice %arg5[%dma_wait3A, %dma_wait3A_36] : memref<2x32xi32, #tpu.memory_space<vmem>> -> memref<1x32xi32, #tpu.memory_space<vmem>>
    %dma_wait3A_38 = tpu.memref_squeeze %dma_wait3A_37 : memref<1x32xi32, #tpu.memory_space<vmem>> -> memref<32xi32, #tpu.memory_space<vmem>>
    %dma_wait3A_39 = arith.constant 0 : i32
    %dma_wait3A_40 = arith.constant 0 : i32
    %dma_wait3A_41 = tpu.memref_slice %arg2[%dma_wait3A_39, %dma_wait3A_40] : memref<4096x1024xf32, #tpu.memory_space<hbm>> -> memref<4096x1024xf32, #tpu.memory_space<hbm>>
    tpu.wait_indirect_dma semaphore(%arg7 : memref<!tpu.dma_semaphore, #tpu.memory_space<semaphore_mem>>) src(%dma_wait3A_41 : memref<4096x1024xf32, #tpu.memory_space<hbm>>) dst(%dma_wait3A_35 : memref<32x1024xf32, #tpu.memory_space<vmem>>)
    %add3A_42 = arith.constant 0 : i32
    %add3A_43 = arith.addi %mul3A_2, %add3A_42 : i32
    %run_scoped3A_44 = arith.constant 0 : i32
    "tpu.region"() ({
      %run_scoped3A_120 = tpu.sem_alloc : memref<!tpu.dma_semaphore, #tpu.memory_space<semaphore_mem>>
      %dma_start3A_121 = arith.constant 0 : i32
      %dma_start3A_122 = arith.constant 0 : i32
      %dma_start3A_123 = tpu.memref_slice %arg6[%run_scoped3A_44, %dma_start3A_121, %dma_start3A_122] : memref<2x32x1024xf32, #tpu.memory_space<vmem>> -> memref<1x32x1024xf32, #tpu.memory_space<vmem>>
      %dma_start3A_124 = tpu.memref_squeeze %dma_start3A_123 : memref<1x32x1024xf32, #tpu.memory_space<vmem>> -> memref<32x1024xf32, #tpu.memory_space<vmem>>
      %dma_start3A_125 = arith.constant 0 : i32
      %dma_start3A_126 = tpu.memref_slice %arg4[%add3A_43, %dma_start3A_125] : memref<4096x1024xf32, #tpu.memory_space<hbm>> -> memref<32x1024xf32, #tpu.memory_space<hbm>>
      %dma_start3A_127 = arith.constant 0 : i32
      %dma_start3A_128 = tpu.memref_slice %arg4[%add3A_43, %dma_start3A_127] : memref<4096x1024xf32, #tpu.memory_space<hbm>> -> memref<32x1024xf32, #tpu.memory_space<hbm>>
      %dma_start3A_129 = arith.constant 0 : i32
      %dma_start3A_130 = arith.constant 0 : i32
      %dma_start3A_131 = tpu.memref_slice %arg6[%run_scoped3A_44, %dma_start3A_129, %dma_start3A_130] : memref<2x32x1024xf32, #tpu.memory_space<vmem>> -> memref<1x32x1024xf32, #tpu.memory_space<vmem>>
      %dma_start3A_132 = tpu.memref_squeeze %dma_start3A_131 : memref<1x32x1024xf32, #tpu.memory_space<vmem>> -> memref<32x1024xf32, #tpu.memory_space<vmem>>
      tpu.enqueue_dma source(%dma_start3A_132 : memref<32x1024xf32, #tpu.memory_space<vmem>>) target(%dma_start3A_128 : memref<32x1024xf32, #tpu.memory_space<hbm>>) target_semaphore(%run_scoped3A_120 : memref<!tpu.dma_semaphore, #tpu.memory_space<semaphore_mem>>)
      %dma_wait3A_133 = arith.constant 0 : i32
      %dma_wait3A_134 = arith.constant 0 : i32
      %dma_wait3A_135 = tpu.memref_slice %arg6[%run_scoped3A_44, %dma_wait3A_133, %dma_wait3A_134] : memref<2x32x1024xf32, #tpu.memory_space<vmem>> -> memref<1x32x1024xf32, #tpu.memory_space<vmem>>
      %dma_wait3A_136 = tpu.memref_squeeze %dma_wait3A_135 : memref<1x32x1024xf32, #tpu.memory_space<vmem>> -> memref<32x1024xf32, #tpu.memory_space<vmem>>
      %dma_wait3A_137 = arith.constant 0 : i32
      %dma_wait3A_138 = tpu.memref_slice %arg4[%add3A_43, %dma_wait3A_137] : memref<4096x1024xf32, #tpu.memory_space<hbm>> -> memref<32x1024xf32, #tpu.memory_space<hbm>>
      %dma_wait3A_139 = arith.constant 0 : i32
      %dma_wait3A_140 = tpu.memref_slice %arg4[%add3A_43, %dma_wait3A_139] : memref<4096x1024xf32, #tpu.memory_space<hbm>> -> memref<32x1024xf32, #tpu.memory_space<hbm>>
      %dma_wait3A_141 = arith.constant 0 : i32
      %dma_wait3A_142 = arith.constant 0 : i32
      %dma_wait3A_143 = tpu.memref_slice %arg6[%run_scoped3A_44, %dma_wait3A_141, %dma_wait3A_142] : memref<2x32x1024xf32, #tpu.memory_space<vmem>> -> memref<1x32x1024xf32, #tpu.memory_space<vmem>>
      %dma_wait3A_144 = tpu.memref_squeeze %dma_wait3A_143 : memref<1x32x1024xf32, #tpu.memory_space<vmem>> -> memref<32x1024xf32, #tpu.memory_space<vmem>>
      tpu.wait_dma2 semaphore(%run_scoped3A_120 : memref<!tpu.dma_semaphore, #tpu.memory_space<semaphore_mem>>) src(%dma_wait3A_144 : memref<32x1024xf32, #tpu.memory_space<vmem>>) dst(%dma_wait3A_140 : memref<32x1024xf32, #tpu.memory_space<hbm>>)
      tpu.yield
    }) : () -> ()
    %add3A_45 = arith.constant 64 : i32
    %add3A_46 = arith.addi %mul3A_2, %add3A_45 : i32
    %run_scoped3A_47 = arith.constant 0 : i32
    "tpu.region"() ({
      %run_scoped3A_120 = tpu.sem_alloc : memref<!tpu.dma_semaphore, #tpu.memory_space<semaphore_mem>>
      %dma_start3A_121 = arith.constant 0 : i32
      %dma_start3A_122 = tpu.memref_slice %arg5[%run_scoped3A_47, %dma_start3A_121] : memref<2x32xi32, #tpu.memory_space<vmem>> -> memref<1x32xi32, #tpu.memory_space<vmem>>
      %dma_start3A_123 = tpu.memref_squeeze %dma_start3A_122 : memref<1x32xi32, #tpu.memory_space<vmem>> -> memref<32xi32, #tpu.memory_space<vmem>>
      %dma_start3A_124 = tpu.memref_slice %arg3[%add3A_46] : memref<4096xi32, #tpu.memory_space<hbm>> -> memref<32xi32, #tpu.memory_space<hbm>>
      %dma_start3A_125 = arith.constant 0 : i32
      %dma_start3A_126 = tpu.memref_slice %arg5[%run_scoped3A_47, %dma_start3A_125] : memref<2x32xi32, #tpu.memory_space<vmem>> -> memref<1x32xi32, #tpu.memory_space<vmem>>
      %dma_start3A_127 = tpu.memref_squeeze %dma_start3A_126 : memref<1x32xi32, #tpu.memory_space<vmem>> -> memref<32xi32, #tpu.memory_space<vmem>>
      %dma_start3A_128 = tpu.memref_slice %arg3[%add3A_46] : memref<4096xi32, #tpu.memory_space<hbm>> -> memref<32xi32, #tpu.memory_space<hbm>>
      tpu.enqueue_dma source(%dma_start3A_128 : memref<32xi32, #tpu.memory_space<hbm>>) target(%dma_start3A_127 : memref<32xi32, #tpu.memory_space<vmem>>) target_semaphore(%run_scoped3A_120 : memref<!tpu.dma_semaphore, #tpu.memory_space<semaphore_mem>>)
      %dma_wait3A_129 = arith.constant 0 : i32
      %dma_wait3A_130 = tpu.memref_slice %arg5[%run_scoped3A_47, %dma_wait3A_129] : memref<2x32xi32, #tpu.memory_space<vmem>> -> memref<1x32xi32, #tpu.memory_space<vmem>>
      %dma_wait3A_131 = tpu.memref_squeeze %dma_wait3A_130 : memref<1x32xi32, #tpu.memory_space<vmem>> -> memref<32xi32, #tpu.memory_space<vmem>>
      %dma_wait3A_132 = tpu.memref_slice %arg3[%add3A_46] : memref<4096xi32, #tpu.memory_space<hbm>> -> memref<32xi32, #tpu.memory_space<hbm>>
      %dma_wait3A_133 = arith.constant 0 : i32
      %dma_wait3A_134 = tpu.memref_slice %arg5[%run_scoped3A_47, %dma_wait3A_133] : memref<2x32xi32, #tpu.memory_space<vmem>> -> memref<1x32xi32, #tpu.memory_space<vmem>>
      %dma_wait3A_135 = tpu.memref_squeeze %dma_wait3A_134 : memref<1x32xi32, #tpu.memory_space<vmem>> -> memref<32xi32, #tpu.memory_space<vmem>>
      %dma_wait3A_136 = tpu.memref_slice %arg3[%add3A_46] : memref<4096xi32, #tpu.memory_space<hbm>> -> memref<32xi32, #tpu.memory_space<hbm>>
      tpu.wait_dma2 semaphore(%run_scoped3A_120 : memref<!tpu.dma_semaphore, #tpu.memory_space<semaphore_mem>>) src(%dma_wait3A_136 : memref<32xi32, #tpu.memory_space<hbm>>) dst(%dma_wait3A_135 : memref<32xi32, #tpu.memory_space<vmem>>)
      tpu.yield
    }) : () -> ()
    %dma_start3A_48 = arith.constant 0 : i32
    %dma_start3A_49 = arith.constant 0 : i32
    %dma_start3A_50 = arith.constant 0 : i32
    %dma_start3A_51 = arith.constant 0 : i32
    %dma_start3A_52 = tpu.memref_slice %arg6[%dma_start3A_49, %dma_start3A_50, %dma_start3A_51] : memref<2x32x1024xf32, #tpu.memory_space<vmem>> -> memref<1x32x1024xf32, #tpu.memory_space<vmem>>
    %dma_start3A_53 = tpu.memref_squeeze %dma_start3A_52 : memref<1x32x1024xf32, #tpu.memory_space<vmem>> -> memref<32x1024xf32, #tpu.memory_space<vmem>>
    %dma_start3A_54 = arith.constant 0 : i32
    %dma_start3A_55 = tpu.memref_slice %arg5[%dma_start3A_48, %dma_start3A_54] : memref<2x32xi32, #tpu.memory_space<vmem>> -> memref<1x32xi32, #tpu.memory_space<vmem>>
    %dma_start3A_56 = tpu.memref_squeeze %dma_start3A_55 : memref<1x32xi32, #tpu.memory_space<vmem>> -> memref<32xi32, #tpu.memory_space<vmem>>
    %dma_start3A_57 = arith.constant 0 : i32
    %dma_start3A_58 = arith.constant 0 : i32
    %dma_start3A_59 = tpu.memref_slice %arg2[%dma_start3A_57, %dma_start3A_58] : memref<4096x1024xf32, #tpu.memory_space<hbm>> -> memref<4096x1024xf32, #tpu.memory_space<hbm>>
    tpu.enqueue_indirect_dma source(%dma_start3A_59 : memref<4096x1024xf32, #tpu.memory_space<hbm>>) target(%dma_start3A_53 : memref<32x1024xf32, #tpu.memory_space<vmem>>) offsets(%dma_start3A_56 : memref<32xi32, #tpu.memory_space<vmem>>) semaphore(%arg7 : memref<!tpu.dma_semaphore, #tpu.memory_space<semaphore_mem>>)
    %dma_wait3A_60 = arith.constant 1 : i32
    %dma_wait3A_61 = arith.constant 1 : i32
    %dma_wait3A_62 = arith.constant 0 : i32
    %dma_wait3A_63 = arith.constant 0 : i32
    %dma_wait3A_64 = tpu.memref_slice %arg6[%dma_wait3A_61, %dma_wait3A_62, %dma_wait3A_63] : memref<2x32x1024xf32, #tpu.memory_space<vmem>> -> memref<1x32x1024xf32, #tpu.memory_space<vmem>>
    %dma_wait3A_65 = tpu.memref_squeeze %dma_wait3A_64 : memref<1x32x1024xf32, #tpu.memory_space<vmem>> -> memref<32x1024xf32, #tpu.memory_space<vmem>>
    %dma_wait3A_66 = arith.constant 0 : i32
    %dma_wait3A_67 = tpu.memref_slice %arg5[%dma_wait3A_60, %dma_wait3A_66] : memref<2x32xi32, #tpu.memory_space<vmem>> -> memref<1x32xi32, #tpu.memory_space<vmem>>
    %dma_wait3A_68 = tpu.memref_squeeze %dma_wait3A_67 : memref<1x32xi32, #tpu.memory_space<vmem>> -> memref<32xi32, #tpu.memory_space<vmem>>
    %dma_wait3A_69 = arith.constant 0 : i32
    %dma_wait3A_70 = arith.constant 0 : i32
    %dma_wait3A_71 = tpu.memref_slice %arg2[%dma_wait3A_69, %dma_wait3A_70] : memref<4096x1024xf32, #tpu.memory_space<hbm>> -> memref<4096x1024xf32, #tpu.memory_space<hbm>>
    tpu.wait_indirect_dma semaphore(%arg7 : memref<!tpu.dma_semaphore, #tpu.memory_space<semaphore_mem>>) src(%dma_wait3A_71 : memref<4096x1024xf32, #tpu.memory_space<hbm>>) dst(%dma_wait3A_65 : memref<32x1024xf32, #tpu.memory_space<vmem>>)
    %add3A_72 = arith.constant 32 : i32
    %add3A_73 = arith.addi %mul3A_2, %add3A_72 : i32
    %run_scoped3A_74 = arith.constant 1 : i32
    "tpu.region"() ({
      %run_scoped3A_120 = tpu.sem_alloc : memref<!tpu.dma_semaphore, #tpu.memory_space<semaphore_mem>>
      %dma_start3A_121 = arith.constant 0 : i32
      %dma_start3A_122 = arith.constant 0 : i32
      %dma_start3A_123 = tpu.memref_slice %arg6[%run_scoped3A_74, %dma_start3A_121, %dma_start3A_122] : memref<2x32x1024xf32, #tpu.memory_space<vmem>> -> memref<1x32x1024xf32, #tpu.memory_space<vmem>>
      %dma_start3A_124 = tpu.memref_squeeze %dma_start3A_123 : memref<1x32x1024xf32, #tpu.memory_space<vmem>> -> memref<32x1024xf32, #tpu.memory_space<vmem>>
      %dma_start3A_125 = arith.constant 0 : i32
      %dma_start3A_126 = tpu.memref_slice %arg4[%add3A_73, %dma_start3A_125] : memref<4096x1024xf32, #tpu.memory_space<hbm>> -> memref<32x1024xf32, #tpu.memory_space<hbm>>
      %dma_start3A_127 = arith.constant 0 : i32
      %dma_start3A_128 = tpu.memref_slice %arg4[%add3A_73, %dma_start3A_127] : memref<4096x1024xf32, #tpu.memory_space<hbm>> -> memref<32x1024xf32, #tpu.memory_space<hbm>>
      %dma_start3A_129 = arith.constant 0 : i32
      %dma_start3A_130 = arith.constant 0 : i32
      %dma_start3A_131 = tpu.memref_slice %arg6[%run_scoped3A_74, %dma_start3A_129, %dma_start3A_130] : memref<2x32x1024xf32, #tpu.memory_space<vmem>> -> memref<1x32x1024xf32, #tpu.memory_space<vmem>>
      %dma_start3A_132 = tpu.memref_squeeze %dma_start3A_131 : memref<1x32x1024xf32, #tpu.memory_space<vmem>> -> memref<32x1024xf32, #tpu.memory_space<vmem>>
      tpu.enqueue_dma source(%dma_start3A_132 : memref<32x1024xf32, #tpu.memory_space<vmem>>) target(%dma_start3A_128 : memref<32x1024xf32, #tpu.memory_space<hbm>>) target_semaphore(%run_scoped3A_120 : memref<!tpu.dma_semaphore, #tpu.memory_space<semaphore_mem>>)
      %dma_wait3A_133 = arith.constant 0 : i32
      %dma_wait3A_134 = arith.constant 0 : i32
      %dma_wait3A_135 = tpu.memref_slice %arg6[%run_scoped3A_74, %dma_wait3A_133, %dma_wait3A_134] : memref<2x32x1024xf32, #tpu.memory_space<vmem>> -> memref<1x32x1024xf32, #tpu.memory_space<vmem>>
      %dma_wait3A_136 = tpu.memref_squeeze %dma_wait3A_135 : memref<1x32x1024xf32, #tpu.memory_space<vmem>> -> memref<32x1024xf32, #tpu.memory_space<vmem>>
      %dma_wait3A_137 = arith.constant 0 : i32
      %dma_wait3A_138 = tpu.memref_slice %arg4[%add3A_73, %dma_wait3A_137] : memref<4096x1024xf32, #tpu.memory_space<hbm>> -> memref<32x1024xf32, #tpu.memory_space<hbm>>
      %dma_wait3A_139 = arith.constant 0 : i32
      %dma_wait3A_140 = tpu.memref_slice %arg4[%add3A_73, %dma_wait3A_139] : memref<4096x1024xf32, #tpu.memory_space<hbm>> -> memref<32x1024xf32, #tpu.memory_space<hbm>>
      %dma_wait3A_141 = arith.constant 0 : i32
      %dma_wait3A_142 = arith.constant 0 : i32
      %dma_wait3A_143 = tpu.memref_slice %arg6[%run_scoped3A_74, %dma_wait3A_141, %dma_wait3A_142] : memref<2x32x1024xf32, #tpu.memory_space<vmem>> -> memref<1x32x1024xf32, #tpu.memory_space<vmem>>
      %dma_wait3A_144 = tpu.memref_squeeze %dma_wait3A_143 : memref<1x32x1024xf32, #tpu.memory_space<vmem>> -> memref<32x1024xf32, #tpu.memory_space<vmem>>
      tpu.wait_dma2 semaphore(%run_scoped3A_120 : memref<!tpu.dma_semaphore, #tpu.memory_space<semaphore_mem>>) src(%dma_wait3A_144 : memref<32x1024xf32, #tpu.memory_space<vmem>>) dst(%dma_wait3A_140 : memref<32x1024xf32, #tpu.memory_space<hbm>>)
      tpu.yield
    }) : () -> ()
    %add3A_75 = arith.constant 96 : i32
    %add3A_76 = arith.addi %mul3A_2, %add3A_75 : i32
    %run_scoped3A_77 = arith.constant 1 : i32
    "tpu.region"() ({
      %run_scoped3A_120 = tpu.sem_alloc : memref<!tpu.dma_semaphore, #tpu.memory_space<semaphore_mem>>
      %dma_start3A_121 = arith.constant 0 : i32
      %dma_start3A_122 = tpu.memref_slice %arg5[%run_scoped3A_77, %dma_start3A_121] : memref<2x32xi32, #tpu.memory_space<vmem>> -> memref<1x32xi32, #tpu.memory_space<vmem>>
      %dma_start3A_123 = tpu.memref_squeeze %dma_start3A_122 : memref<1x32xi32, #tpu.memory_space<vmem>> -> memref<32xi32, #tpu.memory_space<vmem>>
      %dma_start3A_124 = tpu.memref_slice %arg3[%add3A_76] : memref<4096xi32, #tpu.memory_space<hbm>> -> memref<32xi32, #tpu.memory_space<hbm>>
      %dma_start3A_125 = arith.constant 0 : i32
      %dma_start3A_126 = tpu.memref_slice %arg5[%run_scoped3A_77, %dma_start3A_125] : memref<2x32xi32, #tpu.memory_space<vmem>> -> memref<1x32xi32, #tpu.memory_space<vmem>>
      %dma_start3A_127 = tpu.memref_squeeze %dma_start3A_126 : memref<1x32xi32, #tpu.memory_space<vmem>> -> memref<32xi32, #tpu.memory_space<vmem>>
      %dma_start3A_128 = tpu.memref_slice %arg3[%add3A_76] : memref<4096xi32, #tpu.memory_space<hbm>> -> memref<32xi32, #tpu.memory_space<hbm>>
      tpu.enqueue_dma source(%dma_start3A_128 : memref<32xi32, #tpu.memory_space<hbm>>) target(%dma_start3A_127 : memref<32xi32, #tpu.memory_space<vmem>>) target_semaphore(%run_scoped3A_120 : memref<!tpu.dma_semaphore, #tpu.memory_space<semaphore_mem>>)
      %dma_wait3A_129 = arith.constant 0 : i32
      %dma_wait3A_130 = tpu.memref_slice %arg5[%run_scoped3A_77, %dma_wait3A_129] : memref<2x32xi32, #tpu.memory_space<vmem>> -> memref<1x32xi32, #tpu.memory_space<vmem>>
      %dma_wait3A_131 = tpu.memref_squeeze %dma_wait3A_130 : memref<1x32xi32, #tpu.memory_space<vmem>> -> memref<32xi32, #tpu.memory_space<vmem>>
      %dma_wait3A_132 = tpu.memref_slice %arg3[%add3A_76] : memref<4096xi32, #tpu.memory_space<hbm>> -> memref<32xi32, #tpu.memory_space<hbm>>
      %dma_wait3A_133 = arith.constant 0 : i32
      %dma_wait3A_134 = tpu.memref_slice %arg5[%run_scoped3A_77, %dma_wait3A_133] : memref<2x32xi32, #tpu.memory_space<vmem>> -> memref<1x32xi32, #tpu.memory_space<vmem>>
      %dma_wait3A_135 = tpu.memref_squeeze %dma_wait3A_134 : memref<1x32xi32, #tpu.memory_space<vmem>> -> memref<32xi32, #tpu.memory_space<vmem>>
      %dma_wait3A_136 = tpu.memref_slice %arg3[%add3A_76] : memref<4096xi32, #tpu.memory_space<hbm>> -> memref<32xi32, #tpu.memory_space<hbm>>
      tpu.wait_dma2 semaphore(%run_scoped3A_120 : memref<!tpu.dma_semaphore, #tpu.memory_space<semaphore_mem>>) src(%dma_wait3A_136 : memref<32xi32, #tpu.memory_space<hbm>>) dst(%dma_wait3A_135 : memref<32xi32, #tpu.memory_space<vmem>>)
      tpu.yield
    }) : () -> ()
    %dma_start3A_78 = arith.constant 1 : i32
    %dma_start3A_79 = arith.constant 1 : i32
    %dma_start3A_80 = arith.constant 0 : i32
    %dma_start3A_81 = arith.constant 0 : i32
    %dma_start3A_82 = tpu.memref_slice %arg6[%dma_start3A_79, %dma_start3A_80, %dma_start3A_81] : memref<2x32x1024xf32, #tpu.memory_space<vmem>> -> memref<1x32x1024xf32, #tpu.memory_space<vmem>>
    %dma_start3A_83 = tpu.memref_squeeze %dma_start3A_82 : memref<1x32x1024xf32, #tpu.memory_space<vmem>> -> memref<32x1024xf32, #tpu.memory_space<vmem>>
    %dma_start3A_84 = arith.constant 0 : i32
    %dma_start3A_85 = tpu.memref_slice %arg5[%dma_start3A_78, %dma_start3A_84] : memref<2x32xi32, #tpu.memory_space<vmem>> -> memref<1x32xi32, #tpu.memory_space<vmem>>
    %dma_start3A_86 = tpu.memref_squeeze %dma_start3A_85 : memref<1x32xi32, #tpu.memory_space<vmem>> -> memref<32xi32, #tpu.memory_space<vmem>>
    %dma_start3A_87 = arith.constant 0 : i32
    %dma_start3A_88 = arith.constant 0 : i32
    %dma_start3A_89 = tpu.memref_slice %arg2[%dma_start3A_87, %dma_start3A_88] : memref<4096x1024xf32, #tpu.memory_space<hbm>> -> memref<4096x1024xf32, #tpu.memory_space<hbm>>
    tpu.enqueue_indirect_dma source(%dma_start3A_89 : memref<4096x1024xf32, #tpu.memory_space<hbm>>) target(%dma_start3A_83 : memref<32x1024xf32, #tpu.memory_space<vmem>>) offsets(%dma_start3A_86 : memref<32xi32, #tpu.memory_space<vmem>>) semaphore(%arg7 : memref<!tpu.dma_semaphore, #tpu.memory_space<semaphore_mem>>)
    %dma_wait3A_90 = arith.constant 0 : i32
    %dma_wait3A_91 = arith.constant 0 : i32
    %dma_wait3A_92 = arith.constant 0 : i32
    %dma_wait3A_93 = arith.constant 0 : i32
    %dma_wait3A_94 = tpu.memref_slice %arg6[%dma_wait3A_91, %dma_wait3A_92, %dma_wait3A_93] : memref<2x32x1024xf32, #tpu.memory_space<vmem>> -> memref<1x32x1024xf32, #tpu.memory_space<vmem>>
    %dma_wait3A_95 = tpu.memref_squeeze %dma_wait3A_94 : memref<1x32x1024xf32, #tpu.memory_space<vmem>> -> memref<32x1024xf32, #tpu.memory_space<vmem>>
    %dma_wait3A_96 = arith.constant 0 : i32
    %dma_wait3A_97 = tpu.memref_slice %arg5[%dma_wait3A_90, %dma_wait3A_96] : memref<2x32xi32, #tpu.memory_space<vmem>> -> memref<1x32xi32, #tpu.memory_space<vmem>>
    %dma_wait3A_98 = tpu.memref_squeeze %dma_wait3A_97 : memref<1x32xi32, #tpu.memory_space<vmem>> -> memref<32xi32, #tpu.memory_space<vmem>>
    %dma_wait3A_99 = arith.constant 0 : i32
    %dma_wait3A_100 = arith.constant 0 : i32
    %dma_wait3A_101 = tpu.memref_slice %arg2[%dma_wait3A_99, %dma_wait3A_100] : memref<4096x1024xf32, #tpu.memory_space<hbm>> -> memref<4096x1024xf32, #tpu.memory_space<hbm>>
    tpu.wait_indirect_dma semaphore(%arg7 : memref<!tpu.dma_semaphore, #tpu.memory_space<semaphore_mem>>) src(%dma_wait3A_101 : memref<4096x1024xf32, #tpu.memory_space<hbm>>) dst(%dma_wait3A_95 : memref<32x1024xf32, #tpu.memory_space<vmem>>)
    %add3A_102 = arith.constant 64 : i32
    %add3A_103 = arith.addi %mul3A_2, %add3A_102 : i32
    %run_scoped3A_104 = arith.constant 0 : i32
    "tpu.region"() ({
      %run_scoped3A_120 = tpu.sem_alloc : memref<!tpu.dma_semaphore, #tpu.memory_space<semaphore_mem>>
      %dma_start3A_121 = arith.constant 0 : i32
      %dma_start3A_122 = arith.constant 0 : i32
      %dma_start3A_123 = tpu.memref_slice %arg6[%run_scoped3A_104, %dma_start3A_121, %dma_start3A_122] : memref<2x32x1024xf32, #tpu.memory_space<vmem>> -> memref<1x32x1024xf32, #tpu.memory_space<vmem>>
      %dma_start3A_124 = tpu.memref_squeeze %dma_start3A_123 : memref<1x32x1024xf32, #tpu.memory_space<vmem>> -> memref<32x1024xf32, #tpu.memory_space<vmem>>
      %dma_start3A_125 = arith.constant 0 : i32
      %dma_start3A_126 = tpu.memref_slice %arg4[%add3A_103, %dma_start3A_125] : memref<4096x1024xf32, #tpu.memory_space<hbm>> -> memref<32x1024xf32, #tpu.memory_space<hbm>>
      %dma_start3A_127 = arith.constant 0 : i32
      %dma_start3A_128 = tpu.memref_slice %arg4[%add3A_103, %dma_start3A_127] : memref<4096x1024xf32, #tpu.memory_space<hbm>> -> memref<32x1024xf32, #tpu.memory_space<hbm>>
      %dma_start3A_129 = arith.constant 0 : i32
      %dma_start3A_130 = arith.constant 0 : i32
      %dma_start3A_131 = tpu.memref_slice %arg6[%run_scoped3A_104, %dma_start3A_129, %dma_start3A_130] : memref<2x32x1024xf32, #tpu.memory_space<vmem>> -> memref<1x32x1024xf32, #tpu.memory_space<vmem>>
      %dma_start3A_132 = tpu.memref_squeeze %dma_start3A_131 : memref<1x32x1024xf32, #tpu.memory_space<vmem>> -> memref<32x1024xf32, #tpu.memory_space<vmem>>
      tpu.enqueue_dma source(%dma_start3A_132 : memref<32x1024xf32, #tpu.memory_space<vmem>>) target(%dma_start3A_128 : memref<32x1024xf32, #tpu.memory_space<hbm>>) target_semaphore(%run_scoped3A_120 : memref<!tpu.dma_semaphore, #tpu.memory_space<semaphore_mem>>)
      %dma_wait3A_133 = arith.constant 0 : i32
      %dma_wait3A_134 = arith.constant 0 : i32
      %dma_wait3A_135 = tpu.memref_slice %arg6[%run_scoped3A_104, %dma_wait3A_133, %dma_wait3A_134] : memref<2x32x1024xf32, #tpu.memory_space<vmem>> -> memref<1x32x1024xf32, #tpu.memory_space<vmem>>
      %dma_wait3A_136 = tpu.memref_squeeze %dma_wait3A_135 : memref<1x32x1024xf32, #tpu.memory_space<vmem>> -> memref<32x1024xf32, #tpu.memory_space<vmem>>
      %dma_wait3A_137 = arith.constant 0 : i32
      %dma_wait3A_138 = tpu.memref_slice %arg4[%add3A_103, %dma_wait3A_137] : memref<4096x1024xf32, #tpu.memory_space<hbm>> -> memref<32x1024xf32, #tpu.memory_space<hbm>>
      %dma_wait3A_139 = arith.constant 0 : i32
      %dma_wait3A_140 = tpu.memref_slice %arg4[%add3A_103, %dma_wait3A_139] : memref<4096x1024xf32, #tpu.memory_space<hbm>> -> memref<32x1024xf32, #tpu.memory_space<hbm>>
      %dma_wait3A_141 = arith.constant 0 : i32
      %dma_wait3A_142 = arith.constant 0 : i32
      %dma_wait3A_143 = tpu.memref_slice %arg6[%run_scoped3A_104, %dma_wait3A_141, %dma_wait3A_142] : memref<2x32x1024xf32, #tpu.memory_space<vmem>> -> memref<1x32x1024xf32, #tpu.memory_space<vmem>>
      %dma_wait3A_144 = tpu.memref_squeeze %dma_wait3A_143 : memref<1x32x1024xf32, #tpu.memory_space<vmem>> -> memref<32x1024xf32, #tpu.memory_space<vmem>>
      tpu.wait_dma2 semaphore(%run_scoped3A_120 : memref<!tpu.dma_semaphore, #tpu.memory_space<semaphore_mem>>) src(%dma_wait3A_144 : memref<32x1024xf32, #tpu.memory_space<vmem>>) dst(%dma_wait3A_140 : memref<32x1024xf32, #tpu.memory_space<hbm>>)
      tpu.yield
    }) : () -> ()
    %dma_wait3A_105 = arith.constant 1 : i32
    %dma_wait3A_106 = arith.constant 1 : i32
    %dma_wait3A_107 = arith.constant 0 : i32
    %dma_wait3A_108 = arith.constant 0 : i32
    %dma_wait3A_109 = tpu.memref_slice %arg6[%dma_wait3A_106, %dma_wait3A_107, %dma_wait3A_108] : memref<2x32x1024xf32, #tpu.memory_space<vmem>> -> memref<1x32x1024xf32, #tpu.memory_space<vmem>>
    %dma_wait3A_110 = tpu.memref_squeeze %dma_wait3A_109 : memref<1x32x1024xf32, #tpu.memory_space<vmem>> -> memref<32x1024xf32, #tpu.memory_space<vmem>>
    %dma_wait3A_111 = arith.constant 0 : i32
    %dma_wait3A_112 = tpu.memref_slice %arg5[%dma_wait3A_105, %dma_wait3A_111] : memref<2x32xi32, #tpu.memory_space<vmem>> -> memref<1x32xi32, #tpu.memory_space<vmem>>
    %dma_wait3A_113 = tpu.memref_squeeze %dma_wait3A_112 : memref<1x32xi32, #tpu.memory_space<vmem>> -> memref<32xi32, #tpu.memory_space<vmem>>
    %dma_wait3A_114 = arith.constant 0 : i32
    %dma_wait3A_115 = arith.constant 0 : i32
    %dma_wait3A_116 = tpu.memref_slice %arg2[%dma_wait3A_114, %dma_wait3A_115] : memref<4096x1024xf32, #tpu.memory_space<hbm>> -> memref<4096x1024xf32, #tpu.memory_space<hbm>>
    tpu.wait_indirect_dma semaphore(%arg7 : memref<!tpu.dma_semaphore, #tpu.memory_space<semaphore_mem>>) src(%dma_wait3A_116 : memref<4096x1024xf32, #tpu.memory_space<hbm>>) dst(%dma_wait3A_110 : memref<32x1024xf32, #tpu.memory_space<vmem>>)
    %add3A_117 = arith.constant 96 : i32
    %add3A_118 = arith.addi %mul3A_2, %add3A_117 : i32
    %run_scoped3A_119 = arith.constant 1 : i32
    "tpu.region"() ({
      %run_scoped3A_120 = tpu.sem_alloc : memref<!tpu.dma_semaphore, #tpu.memory_space<semaphore_mem>>
      %dma_start3A_121 = arith.constant 0 : i32
      %dma_start3A_122 = arith.constant 0 : i32
      %dma_start3A_123 = tpu.memref_slice %arg6[%run_scoped3A_119, %dma_start3A_121, %dma_start3A_122] : memref<2x32x1024xf32, #tpu.memory_space<vmem>> -> memref<1x32x1024xf32, #tpu.memory_space<vmem>>
      %dma_start3A_124 = tpu.memref_squeeze %dma_start3A_123 : memref<1x32x1024xf32, #tpu.memory_space<vmem>> -> memref<32x1024xf32, #tpu.memory_space<vmem>>
      %dma_start3A_125 = arith.constant 0 : i32
      %dma_start3A_126 = tpu.memref_slice %arg4[%add3A_118, %dma_start3A_125] : memref<4096x1024xf32, #tpu.memory_space<hbm>> -> memref<32x1024xf32, #tpu.memory_space<hbm>>
      %dma_start3A_127 = arith.constant 0 : i32
      %dma_start3A_128 = tpu.memref_slice %arg4[%add3A_118, %dma_start3A_127] : memref<4096x1024xf32, #tpu.memory_space<hbm>> -> memref<32x1024xf32, #tpu.memory_space<hbm>>
      %dma_start3A_129 = arith.constant 0 : i32
      %dma_start3A_130 = arith.constant 0 : i32
      %dma_start3A_131 = tpu.memref_slice %arg6[%run_scoped3A_119, %dma_start3A_129, %dma_start3A_130] : memref<2x32x1024xf32, #tpu.memory_space<vmem>> -> memref<1x32x1024xf32, #tpu.memory_space<vmem>>
      %dma_start3A_132 = tpu.memref_squeeze %dma_start3A_131 : memref<1x32x1024xf32, #tpu.memory_space<vmem>> -> memref<32x1024xf32, #tpu.memory_space<vmem>>
      tpu.enqueue_dma source(%dma_start3A_132 : memref<32x1024xf32, #tpu.memory_space<vmem>>) target(%dma_start3A_128 : memref<32x1024xf32, #tpu.memory_space<hbm>>) target_semaphore(%run_scoped3A_120 : memref<!tpu.dma_semaphore, #tpu.memory_space<semaphore_mem>>)
      %dma_wait3A_133 = arith.constant 0 : i32
      %dma_wait3A_134 = arith.constant 0 : i32
      %dma_wait3A_135 = tpu.memref_slice %arg6[%run_scoped3A_119, %dma_wait3A_133, %dma_wait3A_134] : memref<2x32x1024xf32, #tpu.memory_space<vmem>> -> memref<1x32x1024xf32, #tpu.memory_space<vmem>>
      %dma_wait3A_136 = tpu.memref_squeeze %dma_wait3A_135 : memref<1x32x1024xf32, #tpu.memory_space<vmem>> -> memref<32x1024xf32, #tpu.memory_space<vmem>>
      %dma_wait3A_137 = arith.constant 0 : i32
      %dma_wait3A_138 = tpu.memref_slice %arg4[%add3A_118, %dma_wait3A_137] : memref<4096x1024xf32, #tpu.memory_space<hbm>> -> memref<32x1024xf32, #tpu.memory_space<hbm>>
      %dma_wait3A_139 = arith.constant 0 : i32
      %dma_wait3A_140 = tpu.memref_slice %arg4[%add3A_118, %dma_wait3A_139] : memref<4096x1024xf32, #tpu.memory_space<hbm>> -> memref<32x1024xf32, #tpu.memory_space<hbm>>
      %dma_wait3A_141 = arith.constant 0 : i32
      %dma_wait3A_142 = arith.constant 0 : i32
      %dma_wait3A_143 = tpu.memref_slice %arg6[%run_scoped3A_119, %dma_wait3A_141, %dma_wait3A_142] : memref<2x32x1024xf32, #tpu.memory_space<vmem>> -> memref<1x32x1024xf32, #tpu.memory_space<vmem>>
      %dma_wait3A_144 = tpu.memref_squeeze %dma_wait3A_143 : memref<1x32x1024xf32, #tpu.memory_space<vmem>> -> memref<32x1024xf32, #tpu.memory_space<vmem>>
      tpu.wait_dma2 semaphore(%run_scoped3A_120 : memref<!tpu.dma_semaphore, #tpu.memory_space<semaphore_mem>>) src(%dma_wait3A_144 : memref<32x1024xf32, #tpu.memory_space<vmem>>) dst(%dma_wait3A_140 : memref<32x1024xf32, #tpu.memory_space<hbm>>)
      tpu.yield
    }) : () -> ()
    return
  }
}

#map = affine_map<(d0, d1) -> (0, 0)>
#map1 = affine_map<(d0, d1) -> (0)>
module attributes {stable_mosaic.version = 14 : i64} {
  func.func @_dispatch_body(%arg0: i32, %arg1: i32, %arg2: memref<4096x1024xf32, #tpu.memory_space<hbm>>, %arg3: memref<4096xi32, #tpu.memory_space<hbm>>, %arg4: memref<4096xi32, #tpu.memory_space<hbm>>, %arg5: memref<4096xf32, #tpu.memory_space<hbm>>, %arg6: memref<16xi32, #tpu.memory_space<hbm>>, %arg7: memref<4096xi32, #tpu.memory_space<hbm>>, %arg8: memref<4096xf32, #tpu.memory_space<hbm>>, %arg9: memref<4096xi32, #tpu.memory_space<hbm>>, %arg10: memref<4096x1024xf32, #tpu.memory_space<hbm>>, %arg11: memref<4096xi32, #tpu.memory_space<vmem>>, %arg12: memref<4096xi32, #tpu.memory_space<vmem>>, %arg13: memref<4096xf32, #tpu.memory_space<vmem>>, %arg14: memref<16xi32, #tpu.memory_space<vmem>>, %arg15: memref<4096xi32, #tpu.memory_space<vmem>>, %arg16: memref<4096xf32, #tpu.memory_space<vmem>>, %arg17: memref<4096xi32, #tpu.memory_space<vmem>>, %arg18: memref<4096xi32, #tpu.memory_space<vmem_shared>>, %arg19: memref<2x32xi32, #tpu.memory_space<vmem>>, %arg20: memref<2x32x1024xf32, #tpu.memory_space<vmem>>, %arg21: memref<!tpu.dma_semaphore, #tpu.memory_space<semaphore_mem>>) attributes {dimension_semantics = [#tpu.dimension_semantics<core_parallel>, #tpu.dimension_semantics<subcore_parallel>], iteration_bounds = array<i64: 2, 16>, scalar_prefetch = 0 : i64, scratch_operands = 11 : i64, tpu.core_type = #tpu.core_type<sc_vector_subcore>, window_params = [{transform_indices = #map}, {transform_indices = #map1}, {transform_indices = #map1}, {transform_indices = #map1}, {transform_indices = #map1}, {transform_indices = #map1}, {transform_indices = #map1}, {transform_indices = #map1}, {transform_indices = #map}]} {
    %eq3A = arith.constant 0 : i32
    %eq3A_0 = arith.cmpi eq, %arg1, %eq3A : i32
    %convert_element_type3A = arith.extui %eq3A_0 : i1 to i32
    %cond3A = arith.constant 0 : i32
    %cond3A_1 = arith.cmpi ne, %convert_element_type3A, %cond3A : i32
    scf.if %cond3A_1 {
      "tpu.region"() ({
        %run_scoped3A_136 = tpu.sem_alloc : memref<!tpu.dma_semaphore, #tpu.memory_space<semaphore_mem>>
        tpu.enqueue_dma source(%arg3 : memref<4096xi32, #tpu.memory_space<hbm>>) target(%arg11 : memref<4096xi32, #tpu.memory_space<vmem>>) target_semaphore(%run_scoped3A_136 : memref<!tpu.dma_semaphore, #tpu.memory_space<semaphore_mem>>)
        tpu.wait_dma2 semaphore(%run_scoped3A_136 : memref<!tpu.dma_semaphore, #tpu.memory_space<semaphore_mem>>) src(%arg3 : memref<4096xi32, #tpu.memory_space<hbm>>) dst(%arg11 : memref<4096xi32, #tpu.memory_space<vmem>>)
        tpu.yield
      }) : () -> ()
      "tpu.region"() ({
        %run_scoped3A_136 = tpu.sem_alloc : memref<!tpu.dma_semaphore, #tpu.memory_space<semaphore_mem>>
        tpu.enqueue_dma source(%arg4 : memref<4096xi32, #tpu.memory_space<hbm>>) target(%arg12 : memref<4096xi32, #tpu.memory_space<vmem>>) target_semaphore(%run_scoped3A_136 : memref<!tpu.dma_semaphore, #tpu.memory_space<semaphore_mem>>)
        tpu.wait_dma2 semaphore(%run_scoped3A_136 : memref<!tpu.dma_semaphore, #tpu.memory_space<semaphore_mem>>) src(%arg4 : memref<4096xi32, #tpu.memory_space<hbm>>) dst(%arg12 : memref<4096xi32, #tpu.memory_space<vmem>>)
        tpu.yield
      }) : () -> ()
      "tpu.region"() ({
        %run_scoped3A_136 = tpu.sem_alloc : memref<!tpu.dma_semaphore, #tpu.memory_space<semaphore_mem>>
        tpu.enqueue_dma source(%arg5 : memref<4096xf32, #tpu.memory_space<hbm>>) target(%arg13 : memref<4096xf32, #tpu.memory_space<vmem>>) target_semaphore(%run_scoped3A_136 : memref<!tpu.dma_semaphore, #tpu.memory_space<semaphore_mem>>)
        tpu.wait_dma2 semaphore(%run_scoped3A_136 : memref<!tpu.dma_semaphore, #tpu.memory_space<semaphore_mem>>) src(%arg5 : memref<4096xf32, #tpu.memory_space<hbm>>) dst(%arg13 : memref<4096xf32, #tpu.memory_space<vmem>>)
        tpu.yield
      }) : () -> ()
      "tpu.region"() ({
        %run_scoped3A_136 = tpu.sem_alloc : memref<!tpu.dma_semaphore, #tpu.memory_space<semaphore_mem>>
        tpu.enqueue_dma source(%arg6 : memref<16xi32, #tpu.memory_space<hbm>>) target(%arg14 : memref<16xi32, #tpu.memory_space<vmem>>) target_semaphore(%run_scoped3A_136 : memref<!tpu.dma_semaphore, #tpu.memory_space<semaphore_mem>>)
        tpu.wait_dma2 semaphore(%run_scoped3A_136 : memref<!tpu.dma_semaphore, #tpu.memory_space<semaphore_mem>>) src(%arg6 : memref<16xi32, #tpu.memory_space<hbm>>) dst(%arg14 : memref<16xi32, #tpu.memory_space<vmem>>)
        tpu.yield
      }) : () -> ()
      %get3A = arith.constant 0 : index
      %get3A_122 = tpu.vector_load %arg14[%get3A] {strides = array<i32>} : memref<16xi32, #tpu.memory_space<vmem>>, vector<16xi32>,
      %cumsum3A = arith.constant true
      %cumsum3A_123 = vector.broadcast %cumsum3A : i1 to vector<16xi1>
      %cumsum3A_124 = tpu.scan <sum>, %get3A_122 masked %cumsum3A_123 : vector<16xi32>, vector<16xi1> -> vector<16xi32>
      %sub3A = arith.subi %cumsum3A_124, %get3A_122 : vector<16xi32>
      %swap3A = arith.constant 0 : index
      %swap3A_125 = tpu.vector_load %arg14[%swap3A] {strides = array<i32>} : memref<16xi32, #tpu.memory_space<vmem>>, vector<16xi32>,
      tpu.vector_store %arg14[%swap3A], %sub3A {strides = array<i32>} : memref<16xi32, #tpu.memory_space<vmem>>, vector<16xi32>,
      %scan3A = arith.constant 0 : i32
      %scan3A_126 = arith.constant 0 : i32
      %scan3A_127 = arith.constant 256 : i32
      %scan3A_128 = arith.addi %scan3A_126, %scan3A_127 : i32
      %scan3A_129 = arith.constant 1 : i32
      scf.for %scan3A_136 = %scan3A_126 to %scan3A_128 step %scan3A_129  : i32 {
        %mul3A_137 = arith.constant 16 : i32
        %mul3A_138 = arith.muli %scan3A_136, %mul3A_137 : i32
        %get3A_139 = arith.index_cast %mul3A_138 : i32 to index
        %get3A_140 = tpu.vector_load %arg12[%get3A_139] {strides = array<i32>} : memref<4096xi32, #tpu.memory_space<vmem>>, vector<16xi32>,
        %gather3A = tpu.vector_load_idx %arg14[%get3A_140] : memref<16xi32, #tpu.memory_space<vmem>>[vector<16xi32>], vector<16xi32>,
        %get3A_141 = arith.index_cast %mul3A_138 : i32 to index
        %get3A_142 = tpu.vector_load %arg11[%get3A_141] {strides = array<i32>} : memref<4096xi32, #tpu.memory_space<vmem>>, vector<16xi32>,
        %add3A_143 = arith.addi %gather3A, %get3A_142 : vector<16xi32>
        %swap3A_144 = arith.index_cast %mul3A_138 : i32 to index
        %swap3A_145 = tpu.vector_load %arg17[%swap3A_144] {strides = array<i32>} : memref<4096xi32, #tpu.memory_space<vmem>>, vector<16xi32>,
        tpu.vector_store %arg17[%swap3A_144], %add3A_143 {strides = array<i32>} : memref<4096xi32, #tpu.memory_space<vmem>>, vector<16xi32>,
        %iota3A = tpu.iota {dimensions = array<i32: 0>} : vector<16xi32>
        %mul3A_146 = arith.constant 16 : i32
        %mul3A_147 = arith.muli %scan3A_136, %mul3A_146 : i32
        %add3A_148 = vector.broadcast %mul3A_147 : i32 to vector<16xi32>
        %add3A_149 = arith.addi %iota3A, %add3A_148 : vector<16xi32>
        tpu.vector_store_idx %arg15[%add3A_143], %add3A_149 : memref<4096xi32, #tpu.memory_space<vmem>>[vector<16xi32>], vector<16xi32>,
        %get3A_150 = arith.index_cast %mul3A_138 : i32 to index
        %get3A_151 = tpu.vector_load %arg13[%get3A_150] {strides = array<i32>} : memref<4096xf32, #tpu.memory_space<vmem>>, vector<16xf32>,
        tpu.vector_store_idx %arg16[%add3A_143], %get3A_151 : memref<4096xf32, #tpu.memory_space<vmem>>[vector<16xi32>], vector<16xf32>,
      }
      %scan3A_130 = arith.constant 256 : i32
      "tpu.region"() ({
        %run_scoped3A_136 = tpu.sem_alloc : memref<!tpu.dma_semaphore, #tpu.memory_space<semaphore_mem>>
        tpu.enqueue_dma source(%arg15 : memref<4096xi32, #tpu.memory_space<vmem>>) target(%arg18 : memref<4096xi32, #tpu.memory_space<vmem_shared>>) target_semaphore(%run_scoped3A_136 : memref<!tpu.dma_semaphore, #tpu.memory_space<semaphore_mem>>)
        tpu.wait_dma2 semaphore(%run_scoped3A_136 : memref<!tpu.dma_semaphore, #tpu.memory_space<semaphore_mem>>) src(%arg15 : memref<4096xi32, #tpu.memory_space<vmem>>) dst(%arg18 : memref<4096xi32, #tpu.memory_space<vmem_shared>>)
        tpu.yield
      }) : () -> ()
      %eq3A_131 = arith.constant 0 : i32
      %eq3A_132 = arith.cmpi eq, %arg0, %eq3A_131 : i32
      %convert_element_type3A_133 = arith.extui %eq3A_132 : i1 to i32
      %cond3A_134 = arith.constant 0 : i32
      %cond3A_135 = arith.cmpi ne, %convert_element_type3A_133, %cond3A_134 : i32
      scf.if %cond3A_135 {
        "tpu.region"() ({
          %run_scoped3A_136 = tpu.sem_alloc : memref<!tpu.dma_semaphore, #tpu.memory_space<semaphore_mem>>
          tpu.enqueue_dma source(%arg15 : memref<4096xi32, #tpu.memory_space<vmem>>) target(%arg7 : memref<4096xi32, #tpu.memory_space<hbm>>) target_semaphore(%run_scoped3A_136 : memref<!tpu.dma_semaphore, #tpu.memory_space<semaphore_mem>>)
          tpu.wait_dma2 semaphore(%run_scoped3A_136 : memref<!tpu.dma_semaphore, #tpu.memory_space<semaphore_mem>>) src(%arg15 : memref<4096xi32, #tpu.memory_space<vmem>>) dst(%arg7 : memref<4096xi32, #tpu.memory_space<hbm>>)
          tpu.yield
        }) : () -> ()
        "tpu.region"() ({
          %run_scoped3A_136 = tpu.sem_alloc : memref<!tpu.dma_semaphore, #tpu.memory_space<semaphore_mem>>
          tpu.enqueue_dma source(%arg16 : memref<4096xf32, #tpu.memory_space<vmem>>) target(%arg8 : memref<4096xf32, #tpu.memory_space<hbm>>) target_semaphore(%run_scoped3A_136 : memref<!tpu.dma_semaphore, #tpu.memory_space<semaphore_mem>>)
          tpu.wait_dma2 semaphore(%run_scoped3A_136 : memref<!tpu.dma_semaphore, #tpu.memory_space<semaphore_mem>>) src(%arg16 : memref<4096xf32, #tpu.memory_space<vmem>>) dst(%arg8 : memref<4096xf32, #tpu.memory_space<hbm>>)
          tpu.yield
        }) : () -> ()
        "tpu.region"() ({
          %run_scoped3A_136 = tpu.sem_alloc : memref<!tpu.dma_semaphore, #tpu.memory_space<semaphore_mem>>
          tpu.enqueue_dma source(%arg17 : memref<4096xi32, #tpu.memory_space<vmem>>) target(%arg9 : memref<4096xi32, #tpu.memory_space<hbm>>) target_semaphore(%run_scoped3A_136 : memref<!tpu.dma_semaphore, #tpu.memory_space<semaphore_mem>>)
          tpu.wait_dma2 semaphore(%run_scoped3A_136 : memref<!tpu.dma_semaphore, #tpu.memory_space<semaphore_mem>>) src(%arg17 : memref<4096xi32, #tpu.memory_space<vmem>>) dst(%arg9 : memref<4096xi32, #tpu.memory_space<hbm>>)
          tpu.yield
        }) : () -> ()
      } else {
      }
    } else {
    }
    %barrier3A = arith.constant 0 : index
    tpu.barrier barrier_id(%barrier3A)
    %mul3A = arith.constant 2 : i32
    %mul3A_2 = arith.muli %arg1, %mul3A : i32
    %add3A = arith.addi %mul3A_2, %arg0 : i32
    %mul3A_3 = arith.constant 128 : i32
    %mul3A_4 = arith.muli %add3A, %mul3A_3 : i32
    %add3A_5 = arith.constant 0 : i32
    %add3A_6 = arith.addi %mul3A_4, %add3A_5 : i32
    %run_scoped3A = arith.constant 0 : i32
    "tpu.region"() ({
      %run_scoped3A_122 = tpu.sem_alloc : memref<!tpu.dma_semaphore, #tpu.memory_space<semaphore_mem>>
      %dma_start3A_123 = arith.constant 0 : i32
      %dma_start3A_124 = tpu.memref_slice %arg19[%run_scoped3A, %dma_start3A_123] : memref<2x32xi32, #tpu.memory_space<vmem>> -> memref<1x32xi32, #tpu.memory_space<vmem>>
      %dma_start3A_125 = tpu.memref_squeeze %dma_start3A_124 : memref<1x32xi32, #tpu.memory_space<vmem>> -> memref<32xi32, #tpu.memory_space<vmem>>
      %dma_start3A_126 = tpu.memref_slice %arg18[%add3A_6] : memref<4096xi32, #tpu.memory_space<vmem_shared>> -> memref<32xi32, #tpu.memory_space<vmem_shared>>
      %dma_start3A_127 = arith.constant 0 : i32
      %dma_start3A_128 = tpu.memref_slice %arg19[%run_scoped3A, %dma_start3A_127] : memref<2x32xi32, #tpu.memory_space<vmem>> -> memref<1x32xi32, #tpu.memory_space<vmem>>
      %dma_start3A_129 = tpu.memref_squeeze %dma_start3A_128 : memref<1x32xi32, #tpu.memory_space<vmem>> -> memref<32xi32, #tpu.memory_space<vmem>>
      %dma_start3A_130 = tpu.memref_slice %arg18[%add3A_6] : memref<4096xi32, #tpu.memory_space<vmem_shared>> -> memref<32xi32, #tpu.memory_space<vmem_shared>>
      tpu.enqueue_dma source(%dma_start3A_130 : memref<32xi32, #tpu.memory_space<vmem_shared>>) target(%dma_start3A_129 : memref<32xi32, #tpu.memory_space<vmem>>) target_semaphore(%run_scoped3A_122 : memref<!tpu.dma_semaphore, #tpu.memory_space<semaphore_mem>>)
      %dma_wait3A_131 = arith.constant 0 : i32
      %dma_wait3A_132 = tpu.memref_slice %arg19[%run_scoped3A, %dma_wait3A_131] : memref<2x32xi32, #tpu.memory_space<vmem>> -> memref<1x32xi32, #tpu.memory_space<vmem>>
      %dma_wait3A_133 = tpu.memref_squeeze %dma_wait3A_132 : memref<1x32xi32, #tpu.memory_space<vmem>> -> memref<32xi32, #tpu.memory_space<vmem>>
      %dma_wait3A_134 = tpu.memref_slice %arg18[%add3A_6] : memref<4096xi32, #tpu.memory_space<vmem_shared>> -> memref<32xi32, #tpu.memory_space<vmem_shared>>
      %dma_wait3A_135 = arith.constant 0 : i32
      %dma_wait3A_136 = tpu.memref_slice %arg19[%run_scoped3A, %dma_wait3A_135] : memref<2x32xi32, #tpu.memory_space<vmem>> -> memref<1x32xi32, #tpu.memory_space<vmem>>
      %dma_wait3A_137 = tpu.memref_squeeze %dma_wait3A_136 : memref<1x32xi32, #tpu.memory_space<vmem>> -> memref<32xi32, #tpu.memory_space<vmem>>
      %dma_wait3A_138 = tpu.memref_slice %arg18[%add3A_6] : memref<4096xi32, #tpu.memory_space<vmem_shared>> -> memref<32xi32, #tpu.memory_space<vmem_shared>>
      tpu.wait_dma2 semaphore(%run_scoped3A_122 : memref<!tpu.dma_semaphore, #tpu.memory_space<semaphore_mem>>) src(%dma_wait3A_138 : memref<32xi32, #tpu.memory_space<vmem_shared>>) dst(%dma_wait3A_137 : memref<32xi32, #tpu.memory_space<vmem>>)
      tpu.yield
    }) : () -> ()
    %dma_start3A = arith.constant 0 : i32
    %dma_start3A_7 = arith.constant 0 : i32
    %dma_start3A_8 = arith.constant 0 : i32
    %dma_start3A_9 = arith.constant 0 : i32
    %dma_start3A_10 = tpu.memref_slice %arg20[%dma_start3A_7, %dma_start3A_8, %dma_start3A_9] : memref<2x32x1024xf32, #tpu.memory_space<vmem>> -> memref<1x32x1024xf32, #tpu.memory_space<vmem>>
    %dma_start3A_11 = tpu.memref_squeeze %dma_start3A_10 : memref<1x32x1024xf32, #tpu.memory_space<vmem>> -> memref<32x1024xf32, #tpu.memory_space<vmem>>
    %dma_start3A_12 = arith.constant 0 : i32
    %dma_start3A_13 = tpu.memref_slice %arg19[%dma_start3A, %dma_start3A_12] : memref<2x32xi32, #tpu.memory_space<vmem>> -> memref<1x32xi32, #tpu.memory_space<vmem>>
    %dma_start3A_14 = tpu.memref_squeeze %dma_start3A_13 : memref<1x32xi32, #tpu.memory_space<vmem>> -> memref<32xi32, #tpu.memory_space<vmem>>
    %dma_start3A_15 = arith.constant 0 : i32
    %dma_start3A_16 = arith.constant 0 : i32
    %dma_start3A_17 = tpu.memref_slice %arg2[%dma_start3A_15, %dma_start3A_16] : memref<4096x1024xf32, #tpu.memory_space<hbm>> -> memref<4096x1024xf32, #tpu.memory_space<hbm>>
    tpu.enqueue_indirect_dma source(%dma_start3A_17 : memref<4096x1024xf32, #tpu.memory_space<hbm>>) target(%dma_start3A_11 : memref<32x1024xf32, #tpu.memory_space<vmem>>) offsets(%dma_start3A_14 : memref<32xi32, #tpu.memory_space<vmem>>) semaphore(%arg21 : memref<!tpu.dma_semaphore, #tpu.memory_space<semaphore_mem>>)
    %add3A_18 = arith.constant 32 : i32
    %add3A_19 = arith.addi %mul3A_4, %add3A_18 : i32
    %run_scoped3A_20 = arith.constant 1 : i32
    "tpu.region"() ({
      %run_scoped3A_122 = tpu.sem_alloc : memref<!tpu.dma_semaphore, #tpu.memory_space<semaphore_mem>>
      %dma_start3A_123 = arith.constant 0 : i32
      %dma_start3A_124 = tpu.memref_slice %arg19[%run_scoped3A_20, %dma_start3A_123] : memref<2x32xi32, #tpu.memory_space<vmem>> -> memref<1x32xi32, #tpu.memory_space<vmem>>
      %dma_start3A_125 = tpu.memref_squeeze %dma_start3A_124 : memref<1x32xi32, #tpu.memory_space<vmem>> -> memref<32xi32, #tpu.memory_space<vmem>>
      %dma_start3A_126 = tpu.memref_slice %arg18[%add3A_19] : memref<4096xi32, #tpu.memory_space<vmem_shared>> -> memref<32xi32, #tpu.memory_space<vmem_shared>>
      %dma_start3A_127 = arith.constant 0 : i32
      %dma_start3A_128 = tpu.memref_slice %arg19[%run_scoped3A_20, %dma_start3A_127] : memref<2x32xi32, #tpu.memory_space<vmem>> -> memref<1x32xi32, #tpu.memory_space<vmem>>
      %dma_start3A_129 = tpu.memref_squeeze %dma_start3A_128 : memref<1x32xi32, #tpu.memory_space<vmem>> -> memref<32xi32, #tpu.memory_space<vmem>>
      %dma_start3A_130 = tpu.memref_slice %arg18[%add3A_19] : memref<4096xi32, #tpu.memory_space<vmem_shared>> -> memref<32xi32, #tpu.memory_space<vmem_shared>>
      tpu.enqueue_dma source(%dma_start3A_130 : memref<32xi32, #tpu.memory_space<vmem_shared>>) target(%dma_start3A_129 : memref<32xi32, #tpu.memory_space<vmem>>) target_semaphore(%run_scoped3A_122 : memref<!tpu.dma_semaphore, #tpu.memory_space<semaphore_mem>>)
      %dma_wait3A_131 = arith.constant 0 : i32
      %dma_wait3A_132 = tpu.memref_slice %arg19[%run_scoped3A_20, %dma_wait3A_131] : memref<2x32xi32, #tpu.memory_space<vmem>> -> memref<1x32xi32, #tpu.memory_space<vmem>>
      %dma_wait3A_133 = tpu.memref_squeeze %dma_wait3A_132 : memref<1x32xi32, #tpu.memory_space<vmem>> -> memref<32xi32, #tpu.memory_space<vmem>>
      %dma_wait3A_134 = tpu.memref_slice %arg18[%add3A_19] : memref<4096xi32, #tpu.memory_space<vmem_shared>> -> memref<32xi32, #tpu.memory_space<vmem_shared>>
      %dma_wait3A_135 = arith.constant 0 : i32
      %dma_wait3A_136 = tpu.memref_slice %arg19[%run_scoped3A_20, %dma_wait3A_135] : memref<2x32xi32, #tpu.memory_space<vmem>> -> memref<1x32xi32, #tpu.memory_space<vmem>>
      %dma_wait3A_137 = tpu.memref_squeeze %dma_wait3A_136 : memref<1x32xi32, #tpu.memory_space<vmem>> -> memref<32xi32, #tpu.memory_space<vmem>>
      %dma_wait3A_138 = tpu.memref_slice %arg18[%add3A_19] : memref<4096xi32, #tpu.memory_space<vmem_shared>> -> memref<32xi32, #tpu.memory_space<vmem_shared>>
      tpu.wait_dma2 semaphore(%run_scoped3A_122 : memref<!tpu.dma_semaphore, #tpu.memory_space<semaphore_mem>>) src(%dma_wait3A_138 : memref<32xi32, #tpu.memory_space<vmem_shared>>) dst(%dma_wait3A_137 : memref<32xi32, #tpu.memory_space<vmem>>)
      tpu.yield
    }) : () -> ()
    %dma_start3A_21 = arith.constant 1 : i32
    %dma_start3A_22 = arith.constant 1 : i32
    %dma_start3A_23 = arith.constant 0 : i32
    %dma_start3A_24 = arith.constant 0 : i32
    %dma_start3A_25 = tpu.memref_slice %arg20[%dma_start3A_22, %dma_start3A_23, %dma_start3A_24] : memref<2x32x1024xf32, #tpu.memory_space<vmem>> -> memref<1x32x1024xf32, #tpu.memory_space<vmem>>
    %dma_start3A_26 = tpu.memref_squeeze %dma_start3A_25 : memref<1x32x1024xf32, #tpu.memory_space<vmem>> -> memref<32x1024xf32, #tpu.memory_space<vmem>>
    %dma_start3A_27 = arith.constant 0 : i32
    %dma_start3A_28 = tpu.memref_slice %arg19[%dma_start3A_21, %dma_start3A_27] : memref<2x32xi32, #tpu.memory_space<vmem>> -> memref<1x32xi32, #tpu.memory_space<vmem>>
    %dma_start3A_29 = tpu.memref_squeeze %dma_start3A_28 : memref<1x32xi32, #tpu.memory_space<vmem>> -> memref<32xi32, #tpu.memory_space<vmem>>
    %dma_start3A_30 = arith.constant 0 : i32
    %dma_start3A_31 = arith.constant 0 : i32
    %dma_start3A_32 = tpu.memref_slice %arg2[%dma_start3A_30, %dma_start3A_31] : memref<4096x1024xf32, #tpu.memory_space<hbm>> -> memref<4096x1024xf32, #tpu.memory_space<hbm>>
    tpu.enqueue_indirect_dma source(%dma_start3A_32 : memref<4096x1024xf32, #tpu.memory_space<hbm>>) target(%dma_start3A_26 : memref<32x1024xf32, #tpu.memory_space<vmem>>) offsets(%dma_start3A_29 : memref<32xi32, #tpu.memory_space<vmem>>) semaphore(%arg21 : memref<!tpu.dma_semaphore, #tpu.memory_space<semaphore_mem>>)
    %dma_wait3A = arith.constant 0 : i32
    %dma_wait3A_33 = arith.constant 0 : i32
    %dma_wait3A_34 = arith.constant 0 : i32
    %dma_wait3A_35 = arith.constant 0 : i32
    %dma_wait3A_36 = tpu.memref_slice %arg20[%dma_wait3A_33, %dma_wait3A_34, %dma_wait3A_35] : memref<2x32x1024xf32, #tpu.memory_space<vmem>> -> memref<1x32x1024xf32, #tpu.memory_space<vmem>>
    %dma_wait3A_37 = tpu.memref_squeeze %dma_wait3A_36 : memref<1x32x1024xf32, #tpu.memory_space<vmem>> -> memref<32x1024xf32, #tpu.memory_space<vmem>>
    %dma_wait3A_38 = arith.constant 0 : i32
    %dma_wait3A_39 = tpu.memref_slice %arg19[%dma_wait3A, %dma_wait3A_38] : memref<2x32xi32, #tpu.memory_space<vmem>> -> memref<1x32xi32, #tpu.memory_space<vmem>>
    %dma_wait3A_40 = tpu.memref_squeeze %dma_wait3A_39 : memref<1x32xi32, #tpu.memory_space<vmem>> -> memref<32xi32, #tpu.memory_space<vmem>>
    %dma_wait3A_41 = arith.constant 0 : i32
    %dma_wait3A_42 = arith.constant 0 : i32
    %dma_wait3A_43 = tpu.memref_slice %arg2[%dma_wait3A_41, %dma_wait3A_42] : memref<4096x1024xf32, #tpu.memory_space<hbm>> -> memref<4096x1024xf32, #tpu.memory_space<hbm>>
    tpu.wait_indirect_dma semaphore(%arg21 : memref<!tpu.dma_semaphore, #tpu.memory_space<semaphore_mem>>) src(%dma_wait3A_43 : memref<4096x1024xf32, #tpu.memory_space<hbm>>) dst(%dma_wait3A_37 : memref<32x1024xf32, #tpu.memory_space<vmem>>)
    %add3A_44 = arith.constant 0 : i32
    %add3A_45 = arith.addi %mul3A_4, %add3A_44 : i32
    %run_scoped3A_46 = arith.constant 0 : i32
    "tpu.region"() ({
      %run_scoped3A_122 = tpu.sem_alloc : memref<!tpu.dma_semaphore, #tpu.memory_space<semaphore_mem>>
      %dma_start3A_123 = arith.constant 0 : i32
      %dma_start3A_124 = arith.constant 0 : i32
      %dma_start3A_125 = tpu.memref_slice %arg20[%run_scoped3A_46, %dma_start3A_123, %dma_start3A_124] : memref<2x32x1024xf32, #tpu.memory_space<vmem>> -> memref<1x32x1024xf32, #tpu.memory_space<vmem>>
      %dma_start3A_126 = tpu.memref_squeeze %dma_start3A_125 : memref<1x32x1024xf32, #tpu.memory_space<vmem>> -> memref<32x1024xf32, #tpu.memory_space<vmem>>
      %dma_start3A_127 = arith.constant 0 : i32
      %dma_start3A_128 = tpu.memref_slice %arg10[%add3A_45, %dma_start3A_127] : memref<4096x1024xf32, #tpu.memory_space<hbm>> -> memref<32x1024xf32, #tpu.memory_space<hbm>>
      %dma_start3A_129 = arith.constant 0 : i32
      %dma_start3A_130 = tpu.memref_slice %arg10[%add3A_45, %dma_start3A_129] : memref<4096x1024xf32, #tpu.memory_space<hbm>> -> memref<32x1024xf32, #tpu.memory_space<hbm>>
      %dma_start3A_131 = arith.constant 0 : i32
      %dma_start3A_132 = arith.constant 0 : i32
      %dma_start3A_133 = tpu.memref_slice %arg20[%run_scoped3A_46, %dma_start3A_131, %dma_start3A_132] : memref<2x32x1024xf32, #tpu.memory_space<vmem>> -> memref<1x32x1024xf32, #tpu.memory_space<vmem>>
      %dma_start3A_134 = tpu.memref_squeeze %dma_start3A_133 : memref<1x32x1024xf32, #tpu.memory_space<vmem>> -> memref<32x1024xf32, #tpu.memory_space<vmem>>
      tpu.enqueue_dma source(%dma_start3A_134 : memref<32x1024xf32, #tpu.memory_space<vmem>>) target(%dma_start3A_130 : memref<32x1024xf32, #tpu.memory_space<hbm>>) target_semaphore(%run_scoped3A_122 : memref<!tpu.dma_semaphore, #tpu.memory_space<semaphore_mem>>)
      %dma_wait3A_135 = arith.constant 0 : i32
      %dma_wait3A_136 = arith.constant 0 : i32
      %dma_wait3A_137 = tpu.memref_slice %arg20[%run_scoped3A_46, %dma_wait3A_135, %dma_wait3A_136] : memref<2x32x1024xf32, #tpu.memory_space<vmem>> -> memref<1x32x1024xf32, #tpu.memory_space<vmem>>
      %dma_wait3A_138 = tpu.memref_squeeze %dma_wait3A_137 : memref<1x32x1024xf32, #tpu.memory_space<vmem>> -> memref<32x1024xf32, #tpu.memory_space<vmem>>
      %dma_wait3A_139 = arith.constant 0 : i32
      %dma_wait3A_140 = tpu.memref_slice %arg10[%add3A_45, %dma_wait3A_139] : memref<4096x1024xf32, #tpu.memory_space<hbm>> -> memref<32x1024xf32, #tpu.memory_space<hbm>>
      %dma_wait3A_141 = arith.constant 0 : i32
      %dma_wait3A_142 = tpu.memref_slice %arg10[%add3A_45, %dma_wait3A_141] : memref<4096x1024xf32, #tpu.memory_space<hbm>> -> memref<32x1024xf32, #tpu.memory_space<hbm>>
      %dma_wait3A_143 = arith.constant 0 : i32
      %dma_wait3A_144 = arith.constant 0 : i32
      %dma_wait3A_145 = tpu.memref_slice %arg20[%run_scoped3A_46, %dma_wait3A_143, %dma_wait3A_144] : memref<2x32x1024xf32, #tpu.memory_space<vmem>> -> memref<1x32x1024xf32, #tpu.memory_space<vmem>>
      %dma_wait3A_146 = tpu.memref_squeeze %dma_wait3A_145 : memref<1x32x1024xf32, #tpu.memory_space<vmem>> -> memref<32x1024xf32, #tpu.memory_space<vmem>>
      tpu.wait_dma2 semaphore(%run_scoped3A_122 : memref<!tpu.dma_semaphore, #tpu.memory_space<semaphore_mem>>) src(%dma_wait3A_146 : memref<32x1024xf32, #tpu.memory_space<vmem>>) dst(%dma_wait3A_142 : memref<32x1024xf32, #tpu.memory_space<hbm>>)
      tpu.yield
    }) : () -> ()
    %add3A_47 = arith.constant 64 : i32
    %add3A_48 = arith.addi %mul3A_4, %add3A_47 : i32
    %run_scoped3A_49 = arith.constant 0 : i32
    "tpu.region"() ({
      %run_scoped3A_122 = tpu.sem_alloc : memref<!tpu.dma_semaphore, #tpu.memory_space<semaphore_mem>>
      %dma_start3A_123 = arith.constant 0 : i32
      %dma_start3A_124 = tpu.memref_slice %arg19[%run_scoped3A_49, %dma_start3A_123] : memref<2x32xi32, #tpu.memory_space<vmem>> -> memref<1x32xi32, #tpu.memory_space<vmem>>
      %dma_start3A_125 = tpu.memref_squeeze %dma_start3A_124 : memref<1x32xi32, #tpu.memory_space<vmem>> -> memref<32xi32, #tpu.memory_space<vmem>>
      %dma_start3A_126 = tpu.memref_slice %arg18[%add3A_48] : memref<4096xi32, #tpu.memory_space<vmem_shared>> -> memref<32xi32, #tpu.memory_space<vmem_shared>>
      %dma_start3A_127 = arith.constant 0 : i32
      %dma_start3A_128 = tpu.memref_slice %arg19[%run_scoped3A_49, %dma_start3A_127] : memref<2x32xi32, #tpu.memory_space<vmem>> -> memref<1x32xi32, #tpu.memory_space<vmem>>
      %dma_start3A_129 = tpu.memref_squeeze %dma_start3A_128 : memref<1x32xi32, #tpu.memory_space<vmem>> -> memref<32xi32, #tpu.memory_space<vmem>>
      %dma_start3A_130 = tpu.memref_slice %arg18[%add3A_48] : memref<4096xi32, #tpu.memory_space<vmem_shared>> -> memref<32xi32, #tpu.memory_space<vmem_shared>>
      tpu.enqueue_dma source(%dma_start3A_130 : memref<32xi32, #tpu.memory_space<vmem_shared>>) target(%dma_start3A_129 : memref<32xi32, #tpu.memory_space<vmem>>) target_semaphore(%run_scoped3A_122 : memref<!tpu.dma_semaphore, #tpu.memory_space<semaphore_mem>>)
      %dma_wait3A_131 = arith.constant 0 : i32
      %dma_wait3A_132 = tpu.memref_slice %arg19[%run_scoped3A_49, %dma_wait3A_131] : memref<2x32xi32, #tpu.memory_space<vmem>> -> memref<1x32xi32, #tpu.memory_space<vmem>>
      %dma_wait3A_133 = tpu.memref_squeeze %dma_wait3A_132 : memref<1x32xi32, #tpu.memory_space<vmem>> -> memref<32xi32, #tpu.memory_space<vmem>>
      %dma_wait3A_134 = tpu.memref_slice %arg18[%add3A_48] : memref<4096xi32, #tpu.memory_space<vmem_shared>> -> memref<32xi32, #tpu.memory_space<vmem_shared>>
      %dma_wait3A_135 = arith.constant 0 : i32
      %dma_wait3A_136 = tpu.memref_slice %arg19[%run_scoped3A_49, %dma_wait3A_135] : memref<2x32xi32, #tpu.memory_space<vmem>> -> memref<1x32xi32, #tpu.memory_space<vmem>>
      %dma_wait3A_137 = tpu.memref_squeeze %dma_wait3A_136 : memref<1x32xi32, #tpu.memory_space<vmem>> -> memref<32xi32, #tpu.memory_space<vmem>>
      %dma_wait3A_138 = tpu.memref_slice %arg18[%add3A_48] : memref<4096xi32, #tpu.memory_space<vmem_shared>> -> memref<32xi32, #tpu.memory_space<vmem_shared>>
      tpu.wait_dma2 semaphore(%run_scoped3A_122 : memref<!tpu.dma_semaphore, #tpu.memory_space<semaphore_mem>>) src(%dma_wait3A_138 : memref<32xi32, #tpu.memory_space<vmem_shared>>) dst(%dma_wait3A_137 : memref<32xi32, #tpu.memory_space<vmem>>)
      tpu.yield
    }) : () -> ()
    %dma_start3A_50 = arith.constant 0 : i32
    %dma_start3A_51 = arith.constant 0 : i32
    %dma_start3A_52 = arith.constant 0 : i32
    %dma_start3A_53 = arith.constant 0 : i32
    %dma_start3A_54 = tpu.memref_slice %arg20[%dma_start3A_51, %dma_start3A_52, %dma_start3A_53] : memref<2x32x1024xf32, #tpu.memory_space<vmem>> -> memref<1x32x1024xf32, #tpu.memory_space<vmem>>
    %dma_start3A_55 = tpu.memref_squeeze %dma_start3A_54 : memref<1x32x1024xf32, #tpu.memory_space<vmem>> -> memref<32x1024xf32, #tpu.memory_space<vmem>>
    %dma_start3A_56 = arith.constant 0 : i32
    %dma_start3A_57 = tpu.memref_slice %arg19[%dma_start3A_50, %dma_start3A_56] : memref<2x32xi32, #tpu.memory_space<vmem>> -> memref<1x32xi32, #tpu.memory_space<vmem>>
    %dma_start3A_58 = tpu.memref_squeeze %dma_start3A_57 : memref<1x32xi32, #tpu.memory_space<vmem>> -> memref<32xi32, #tpu.memory_space<vmem>>
    %dma_start3A_59 = arith.constant 0 : i32
    %dma_start3A_60 = arith.constant 0 : i32
    %dma_start3A_61 = tpu.memref_slice %arg2[%dma_start3A_59, %dma_start3A_60] : memref<4096x1024xf32, #tpu.memory_space<hbm>> -> memref<4096x1024xf32, #tpu.memory_space<hbm>>
    tpu.enqueue_indirect_dma source(%dma_start3A_61 : memref<4096x1024xf32, #tpu.memory_space<hbm>>) target(%dma_start3A_55 : memref<32x1024xf32, #tpu.memory_space<vmem>>) offsets(%dma_start3A_58 : memref<32xi32, #tpu.memory_space<vmem>>) semaphore(%arg21 : memref<!tpu.dma_semaphore, #tpu.memory_space<semaphore_mem>>)
    %dma_wait3A_62 = arith.constant 1 : i32
    %dma_wait3A_63 = arith.constant 1 : i32
    %dma_wait3A_64 = arith.constant 0 : i32
    %dma_wait3A_65 = arith.constant 0 : i32
    %dma_wait3A_66 = tpu.memref_slice %arg20[%dma_wait3A_63, %dma_wait3A_64, %dma_wait3A_65] : memref<2x32x1024xf32, #tpu.memory_space<vmem>> -> memref<1x32x1024xf32, #tpu.memory_space<vmem>>
    %dma_wait3A_67 = tpu.memref_squeeze %dma_wait3A_66 : memref<1x32x1024xf32, #tpu.memory_space<vmem>> -> memref<32x1024xf32, #tpu.memory_space<vmem>>
    %dma_wait3A_68 = arith.constant 0 : i32
    %dma_wait3A_69 = tpu.memref_slice %arg19[%dma_wait3A_62, %dma_wait3A_68] : memref<2x32xi32, #tpu.memory_space<vmem>> -> memref<1x32xi32, #tpu.memory_space<vmem>>
    %dma_wait3A_70 = tpu.memref_squeeze %dma_wait3A_69 : memref<1x32xi32, #tpu.memory_space<vmem>> -> memref<32xi32, #tpu.memory_space<vmem>>
    %dma_wait3A_71 = arith.constant 0 : i32
    %dma_wait3A_72 = arith.constant 0 : i32
    %dma_wait3A_73 = tpu.memref_slice %arg2[%dma_wait3A_71, %dma_wait3A_72] : memref<4096x1024xf32, #tpu.memory_space<hbm>> -> memref<4096x1024xf32, #tpu.memory_space<hbm>>
    tpu.wait_indirect_dma semaphore(%arg21 : memref<!tpu.dma_semaphore, #tpu.memory_space<semaphore_mem>>) src(%dma_wait3A_73 : memref<4096x1024xf32, #tpu.memory_space<hbm>>) dst(%dma_wait3A_67 : memref<32x1024xf32, #tpu.memory_space<vmem>>)
    %add3A_74 = arith.constant 32 : i32
    %add3A_75 = arith.addi %mul3A_4, %add3A_74 : i32
    %run_scoped3A_76 = arith.constant 1 : i32
    "tpu.region"() ({
      %run_scoped3A_122 = tpu.sem_alloc : memref<!tpu.dma_semaphore, #tpu.memory_space<semaphore_mem>>
      %dma_start3A_123 = arith.constant 0 : i32
      %dma_start3A_124 = arith.constant 0 : i32
      %dma_start3A_125 = tpu.memref_slice %arg20[%run_scoped3A_76, %dma_start3A_123, %dma_start3A_124] : memref<2x32x1024xf32, #tpu.memory_space<vmem>> -> memref<1x32x1024xf32, #tpu.memory_space<vmem>>
      %dma_start3A_126 = tpu.memref_squeeze %dma_start3A_125 : memref<1x32x1024xf32, #tpu.memory_space<vmem>> -> memref<32x1024xf32, #tpu.memory_space<vmem>>
      %dma_start3A_127 = arith.constant 0 : i32
      %dma_start3A_128 = tpu.memref_slice %arg10[%add3A_75, %dma_start3A_127] : memref<4096x1024xf32, #tpu.memory_space<hbm>> -> memref<32x1024xf32, #tpu.memory_space<hbm>>
      %dma_start3A_129 = arith.constant 0 : i32
      %dma_start3A_130 = tpu.memref_slice %arg10[%add3A_75, %dma_start3A_129] : memref<4096x1024xf32, #tpu.memory_space<hbm>> -> memref<32x1024xf32, #tpu.memory_space<hbm>>
      %dma_start3A_131 = arith.constant 0 : i32
      %dma_start3A_132 = arith.constant 0 : i32
      %dma_start3A_133 = tpu.memref_slice %arg20[%run_scoped3A_76, %dma_start3A_131, %dma_start3A_132] : memref<2x32x1024xf32, #tpu.memory_space<vmem>> -> memref<1x32x1024xf32, #tpu.memory_space<vmem>>
      %dma_start3A_134 = tpu.memref_squeeze %dma_start3A_133 : memref<1x32x1024xf32, #tpu.memory_space<vmem>> -> memref<32x1024xf32, #tpu.memory_space<vmem>>
      tpu.enqueue_dma source(%dma_start3A_134 : memref<32x1024xf32, #tpu.memory_space<vmem>>) target(%dma_start3A_130 : memref<32x1024xf32, #tpu.memory_space<hbm>>) target_semaphore(%run_scoped3A_122 : memref<!tpu.dma_semaphore, #tpu.memory_space<semaphore_mem>>)
      %dma_wait3A_135 = arith.constant 0 : i32
      %dma_wait3A_136 = arith.constant 0 : i32
      %dma_wait3A_137 = tpu.memref_slice %arg20[%run_scoped3A_76, %dma_wait3A_135, %dma_wait3A_136] : memref<2x32x1024xf32, #tpu.memory_space<vmem>> -> memref<1x32x1024xf32, #tpu.memory_space<vmem>>
      %dma_wait3A_138 = tpu.memref_squeeze %dma_wait3A_137 : memref<1x32x1024xf32, #tpu.memory_space<vmem>> -> memref<32x1024xf32, #tpu.memory_space<vmem>>
      %dma_wait3A_139 = arith.constant 0 : i32
      %dma_wait3A_140 = tpu.memref_slice %arg10[%add3A_75, %dma_wait3A_139] : memref<4096x1024xf32, #tpu.memory_space<hbm>> -> memref<32x1024xf32, #tpu.memory_space<hbm>>
      %dma_wait3A_141 = arith.constant 0 : i32
      %dma_wait3A_142 = tpu.memref_slice %arg10[%add3A_75, %dma_wait3A_141] : memref<4096x1024xf32, #tpu.memory_space<hbm>> -> memref<32x1024xf32, #tpu.memory_space<hbm>>
      %dma_wait3A_143 = arith.constant 0 : i32
      %dma_wait3A_144 = arith.constant 0 : i32
      %dma_wait3A_145 = tpu.memref_slice %arg20[%run_scoped3A_76, %dma_wait3A_143, %dma_wait3A_144] : memref<2x32x1024xf32, #tpu.memory_space<vmem>> -> memref<1x32x1024xf32, #tpu.memory_space<vmem>>
      %dma_wait3A_146 = tpu.memref_squeeze %dma_wait3A_145 : memref<1x32x1024xf32, #tpu.memory_space<vmem>> -> memref<32x1024xf32, #tpu.memory_space<vmem>>
      tpu.wait_dma2 semaphore(%run_scoped3A_122 : memref<!tpu.dma_semaphore, #tpu.memory_space<semaphore_mem>>) src(%dma_wait3A_146 : memref<32x1024xf32, #tpu.memory_space<vmem>>) dst(%dma_wait3A_142 : memref<32x1024xf32, #tpu.memory_space<hbm>>)
      tpu.yield
    }) : () -> ()
    %add3A_77 = arith.constant 96 : i32
    %add3A_78 = arith.addi %mul3A_4, %add3A_77 : i32
    %run_scoped3A_79 = arith.constant 1 : i32
    "tpu.region"() ({
      %run_scoped3A_122 = tpu.sem_alloc : memref<!tpu.dma_semaphore, #tpu.memory_space<semaphore_mem>>
      %dma_start3A_123 = arith.constant 0 : i32
      %dma_start3A_124 = tpu.memref_slice %arg19[%run_scoped3A_79, %dma_start3A_123] : memref<2x32xi32, #tpu.memory_space<vmem>> -> memref<1x32xi32, #tpu.memory_space<vmem>>
      %dma_start3A_125 = tpu.memref_squeeze %dma_start3A_124 : memref<1x32xi32, #tpu.memory_space<vmem>> -> memref<32xi32, #tpu.memory_space<vmem>>
      %dma_start3A_126 = tpu.memref_slice %arg18[%add3A_78] : memref<4096xi32, #tpu.memory_space<vmem_shared>> -> memref<32xi32, #tpu.memory_space<vmem_shared>>
      %dma_start3A_127 = arith.constant 0 : i32
      %dma_start3A_128 = tpu.memref_slice %arg19[%run_scoped3A_79, %dma_start3A_127] : memref<2x32xi32, #tpu.memory_space<vmem>> -> memref<1x32xi32, #tpu.memory_space<vmem>>
      %dma_start3A_129 = tpu.memref_squeeze %dma_start3A_128 : memref<1x32xi32, #tpu.memory_space<vmem>> -> memref<32xi32, #tpu.memory_space<vmem>>
      %dma_start3A_130 = tpu.memref_slice %arg18[%add3A_78] : memref<4096xi32, #tpu.memory_space<vmem_shared>> -> memref<32xi32, #tpu.memory_space<vmem_shared>>
      tpu.enqueue_dma source(%dma_start3A_130 : memref<32xi32, #tpu.memory_space<vmem_shared>>) target(%dma_start3A_129 : memref<32xi32, #tpu.memory_space<vmem>>) target_semaphore(%run_scoped3A_122 : memref<!tpu.dma_semaphore, #tpu.memory_space<semaphore_mem>>)
      %dma_wait3A_131 = arith.constant 0 : i32
      %dma_wait3A_132 = tpu.memref_slice %arg19[%run_scoped3A_79, %dma_wait3A_131] : memref<2x32xi32, #tpu.memory_space<vmem>> -> memref<1x32xi32, #tpu.memory_space<vmem>>
      %dma_wait3A_133 = tpu.memref_squeeze %dma_wait3A_132 : memref<1x32xi32, #tpu.memory_space<vmem>> -> memref<32xi32, #tpu.memory_space<vmem>>
      %dma_wait3A_134 = tpu.memref_slice %arg18[%add3A_78] : memref<4096xi32, #tpu.memory_space<vmem_shared>> -> memref<32xi32, #tpu.memory_space<vmem_shared>>
      %dma_wait3A_135 = arith.constant 0 : i32
      %dma_wait3A_136 = tpu.memref_slice %arg19[%run_scoped3A_79, %dma_wait3A_135] : memref<2x32xi32, #tpu.memory_space<vmem>> -> memref<1x32xi32, #tpu.memory_space<vmem>>
      %dma_wait3A_137 = tpu.memref_squeeze %dma_wait3A_136 : memref<1x32xi32, #tpu.memory_space<vmem>> -> memref<32xi32, #tpu.memory_space<vmem>>
      %dma_wait3A_138 = tpu.memref_slice %arg18[%add3A_78] : memref<4096xi32, #tpu.memory_space<vmem_shared>> -> memref<32xi32, #tpu.memory_space<vmem_shared>>
      tpu.wait_dma2 semaphore(%run_scoped3A_122 : memref<!tpu.dma_semaphore, #tpu.memory_space<semaphore_mem>>) src(%dma_wait3A_138 : memref<32xi32, #tpu.memory_space<vmem_shared>>) dst(%dma_wait3A_137 : memref<32xi32, #tpu.memory_space<vmem>>)
      tpu.yield
    }) : () -> ()
    %dma_start3A_80 = arith.constant 1 : i32
    %dma_start3A_81 = arith.constant 1 : i32
    %dma_start3A_82 = arith.constant 0 : i32
    %dma_start3A_83 = arith.constant 0 : i32
    %dma_start3A_84 = tpu.memref_slice %arg20[%dma_start3A_81, %dma_start3A_82, %dma_start3A_83] : memref<2x32x1024xf32, #tpu.memory_space<vmem>> -> memref<1x32x1024xf32, #tpu.memory_space<vmem>>
    %dma_start3A_85 = tpu.memref_squeeze %dma_start3A_84 : memref<1x32x1024xf32, #tpu.memory_space<vmem>> -> memref<32x1024xf32, #tpu.memory_space<vmem>>
    %dma_start3A_86 = arith.constant 0 : i32
    %dma_start3A_87 = tpu.memref_slice %arg19[%dma_start3A_80, %dma_start3A_86] : memref<2x32xi32, #tpu.memory_space<vmem>> -> memref<1x32xi32, #tpu.memory_space<vmem>>
    %dma_start3A_88 = tpu.memref_squeeze %dma_start3A_87 : memref<1x32xi32, #tpu.memory_space<vmem>> -> memref<32xi32, #tpu.memory_space<vmem>>
    %dma_start3A_89 = arith.constant 0 : i32
    %dma_start3A_90 = arith.constant 0 : i32
    %dma_start3A_91 = tpu.memref_slice %arg2[%dma_start3A_89, %dma_start3A_90] : memref<4096x1024xf32, #tpu.memory_space<hbm>> -> memref<4096x1024xf32, #tpu.memory_space<hbm>>
    tpu.enqueue_indirect_dma source(%dma_start3A_91 : memref<4096x1024xf32, #tpu.memory_space<hbm>>) target(%dma_start3A_85 : memref<32x1024xf32, #tpu.memory_space<vmem>>) offsets(%dma_start3A_88 : memref<32xi32, #tpu.memory_space<vmem>>) semaphore(%arg21 : memref<!tpu.dma_semaphore, #tpu.memory_space<semaphore_mem>>)
    %dma_wait3A_92 = arith.constant 0 : i32
    %dma_wait3A_93 = arith.constant 0 : i32
    %dma_wait3A_94 = arith.constant 0 : i32
    %dma_wait3A_95 = arith.constant 0 : i32
    %dma_wait3A_96 = tpu.memref_slice %arg20[%dma_wait3A_93, %dma_wait3A_94, %dma_wait3A_95] : memref<2x32x1024xf32, #tpu.memory_space<vmem>> -> memref<1x32x1024xf32, #tpu.memory_space<vmem>>
    %dma_wait3A_97 = tpu.memref_squeeze %dma_wait3A_96 : memref<1x32x1024xf32, #tpu.memory_space<vmem>> -> memref<32x1024xf32, #tpu.memory_space<vmem>>
    %dma_wait3A_98 = arith.constant 0 : i32
    %dma_wait3A_99 = tpu.memref_slice %arg19[%dma_wait3A_92, %dma_wait3A_98] : memref<2x32xi32, #tpu.memory_space<vmem>> -> memref<1x32xi32, #tpu.memory_space<vmem>>
    %dma_wait3A_100 = tpu.memref_squeeze %dma_wait3A_99 : memref<1x32xi32, #tpu.memory_space<vmem>> -> memref<32xi32, #tpu.memory_space<vmem>>
    %dma_wait3A_101 = arith.constant 0 : i32
    %dma_wait3A_102 = arith.constant 0 : i32
    %dma_wait3A_103 = tpu.memref_slice %arg2[%dma_wait3A_101, %dma_wait3A_102] : memref<4096x1024xf32, #tpu.memory_space<hbm>> -> memref<4096x1024xf32, #tpu.memory_space<hbm>>
    tpu.wait_indirect_dma semaphore(%arg21 : memref<!tpu.dma_semaphore, #tpu.memory_space<semaphore_mem>>) src(%dma_wait3A_103 : memref<4096x1024xf32, #tpu.memory_space<hbm>>) dst(%dma_wait3A_97 : memref<32x1024xf32, #tpu.memory_space<vmem>>)
    %add3A_104 = arith.constant 64 : i32
    %add3A_105 = arith.addi %mul3A_4, %add3A_104 : i32
    %run_scoped3A_106 = arith.constant 0 : i32
    "tpu.region"() ({
      %run_scoped3A_122 = tpu.sem_alloc : memref<!tpu.dma_semaphore, #tpu.memory_space<semaphore_mem>>
      %dma_start3A_123 = arith.constant 0 : i32
      %dma_start3A_124 = arith.constant 0 : i32
      %dma_start3A_125 = tpu.memref_slice %arg20[%run_scoped3A_106, %dma_start3A_123, %dma_start3A_124] : memref<2x32x1024xf32, #tpu.memory_space<vmem>> -> memref<1x32x1024xf32, #tpu.memory_space<vmem>>
      %dma_start3A_126 = tpu.memref_squeeze %dma_start3A_125 : memref<1x32x1024xf32, #tpu.memory_space<vmem>> -> memref<32x1024xf32, #tpu.memory_space<vmem>>
      %dma_start3A_127 = arith.constant 0 : i32
      %dma_start3A_128 = tpu.memref_slice %arg10[%add3A_105, %dma_start3A_127] : memref<4096x1024xf32, #tpu.memory_space<hbm>> -> memref<32x1024xf32, #tpu.memory_space<hbm>>
      %dma_start3A_129 = arith.constant 0 : i32
      %dma_start3A_130 = tpu.memref_slice %arg10[%add3A_105, %dma_start3A_129] : memref<4096x1024xf32, #tpu.memory_space<hbm>> -> memref<32x1024xf32, #tpu.memory_space<hbm>>
      %dma_start3A_131 = arith.constant 0 : i32
      %dma_start3A_132 = arith.constant 0 : i32
      %dma_start3A_133 = tpu.memref_slice %arg20[%run_scoped3A_106, %dma_start3A_131, %dma_start3A_132] : memref<2x32x1024xf32, #tpu.memory_space<vmem>> -> memref<1x32x1024xf32, #tpu.memory_space<vmem>>
      %dma_start3A_134 = tpu.memref_squeeze %dma_start3A_133 : memref<1x32x1024xf32, #tpu.memory_space<vmem>> -> memref<32x1024xf32, #tpu.memory_space<vmem>>
      tpu.enqueue_dma source(%dma_start3A_134 : memref<32x1024xf32, #tpu.memory_space<vmem>>) target(%dma_start3A_130 : memref<32x1024xf32, #tpu.memory_space<hbm>>) target_semaphore(%run_scoped3A_122 : memref<!tpu.dma_semaphore, #tpu.memory_space<semaphore_mem>>)
      %dma_wait3A_135 = arith.constant 0 : i32
      %dma_wait3A_136 = arith.constant 0 : i32
      %dma_wait3A_137 = tpu.memref_slice %arg20[%run_scoped3A_106, %dma_wait3A_135, %dma_wait3A_136] : memref<2x32x1024xf32, #tpu.memory_space<vmem>> -> memref<1x32x1024xf32, #tpu.memory_space<vmem>>
      %dma_wait3A_138 = tpu.memref_squeeze %dma_wait3A_137 : memref<1x32x1024xf32, #tpu.memory_space<vmem>> -> memref<32x1024xf32, #tpu.memory_space<vmem>>
      %dma_wait3A_139 = arith.constant 0 : i32
      %dma_wait3A_140 = tpu.memref_slice %arg10[%add3A_105, %dma_wait3A_139] : memref<4096x1024xf32, #tpu.memory_space<hbm>> -> memref<32x1024xf32, #tpu.memory_space<hbm>>
      %dma_wait3A_141 = arith.constant 0 : i32
      %dma_wait3A_142 = tpu.memref_slice %arg10[%add3A_105, %dma_wait3A_141] : memref<4096x1024xf32, #tpu.memory_space<hbm>> -> memref<32x1024xf32, #tpu.memory_space<hbm>>
      %dma_wait3A_143 = arith.constant 0 : i32
      %dma_wait3A_144 = arith.constant 0 : i32
      %dma_wait3A_145 = tpu.memref_slice %arg20[%run_scoped3A_106, %dma_wait3A_143, %dma_wait3A_144] : memref<2x32x1024xf32, #tpu.memory_space<vmem>> -> memref<1x32x1024xf32, #tpu.memory_space<vmem>>
      %dma_wait3A_146 = tpu.memref_squeeze %dma_wait3A_145 : memref<1x32x1024xf32, #tpu.memory_space<vmem>> -> memref<32x1024xf32, #tpu.memory_space<vmem>>
      tpu.wait_dma2 semaphore(%run_scoped3A_122 : memref<!tpu.dma_semaphore, #tpu.memory_space<semaphore_mem>>) src(%dma_wait3A_146 : memref<32x1024xf32, #tpu.memory_space<vmem>>) dst(%dma_wait3A_142 : memref<32x1024xf32, #tpu.memory_space<hbm>>)
      tpu.yield
    }) : () -> ()
    %dma_wait3A_107 = arith.constant 1 : i32
    %dma_wait3A_108 = arith.constant 1 : i32
    %dma_wait3A_109 = arith.constant 0 : i32
    %dma_wait3A_110 = arith.constant 0 : i32
    %dma_wait3A_111 = tpu.memref_slice %arg20[%dma_wait3A_108, %dma_wait3A_109, %dma_wait3A_110] : memref<2x32x1024xf32, #tpu.memory_space<vmem>> -> memref<1x32x1024xf32, #tpu.memory_space<vmem>>
    %dma_wait3A_112 = tpu.memref_squeeze %dma_wait3A_111 : memref<1x32x1024xf32, #tpu.memory_space<vmem>> -> memref<32x1024xf32, #tpu.memory_space<vmem>>
    %dma_wait3A_113 = arith.constant 0 : i32
    %dma_wait3A_114 = tpu.memref_slice %arg19[%dma_wait3A_107, %dma_wait3A_113] : memref<2x32xi32, #tpu.memory_space<vmem>> -> memref<1x32xi32, #tpu.memory_space<vmem>>
    %dma_wait3A_115 = tpu.memref_squeeze %dma_wait3A_114 : memref<1x32xi32, #tpu.memory_space<vmem>> -> memref<32xi32, #tpu.memory_space<vmem>>
    %dma_wait3A_116 = arith.constant 0 : i32
    %dma_wait3A_117 = arith.constant 0 : i32
    %dma_wait3A_118 = tpu.memref_slice %arg2[%dma_wait3A_116, %dma_wait3A_117] : memref<4096x1024xf32, #tpu.memory_space<hbm>> -> memref<4096x1024xf32, #tpu.memory_space<hbm>>
    tpu.wait_indirect_dma semaphore(%arg21 : memref<!tpu.dma_semaphore, #tpu.memory_space<semaphore_mem>>) src(%dma_wait3A_118 : memref<4096x1024xf32, #tpu.memory_space<hbm>>) dst(%dma_wait3A_112 : memref<32x1024xf32, #tpu.memory_space<vmem>>)
    %add3A_119 = arith.constant 96 : i32
    %add3A_120 = arith.addi %mul3A_4, %add3A_119 : i32
    %run_scoped3A_121 = arith.constant 1 : i32
    "tpu.region"() ({
      %run_scoped3A_122 = tpu.sem_alloc : memref<!tpu.dma_semaphore, #tpu.memory_space<semaphore_mem>>
      %dma_start3A_123 = arith.constant 0 : i32
      %dma_start3A_124 = arith.constant 0 : i32
      %dma_start3A_125 = tpu.memref_slice %arg20[%run_scoped3A_121, %dma_start3A_123, %dma_start3A_124] : memref<2x32x1024xf32, #tpu.memory_space<vmem>> -> memref<1x32x1024xf32, #tpu.memory_space<vmem>>
      %dma_start3A_126 = tpu.memref_squeeze %dma_start3A_125 : memref<1x32x1024xf32, #tpu.memory_space<vmem>> -> memref<32x1024xf32, #tpu.memory_space<vmem>>
      %dma_start3A_127 = arith.constant 0 : i32
      %dma_start3A_128 = tpu.memref_slice %arg10[%add3A_120, %dma_start3A_127] : memref<4096x1024xf32, #tpu.memory_space<hbm>> -> memref<32x1024xf32, #tpu.memory_space<hbm>>
      %dma_start3A_129 = arith.constant 0 : i32
      %dma_start3A_130 = tpu.memref_slice %arg10[%add3A_120, %dma_start3A_129] : memref<4096x1024xf32, #tpu.memory_space<hbm>> -> memref<32x1024xf32, #tpu.memory_space<hbm>>
      %dma_start3A_131 = arith.constant 0 : i32
      %dma_start3A_132 = arith.constant 0 : i32
      %dma_start3A_133 = tpu.memref_slice %arg20[%run_scoped3A_121, %dma_start3A_131, %dma_start3A_132] : memref<2x32x1024xf32, #tpu.memory_space<vmem>> -> memref<1x32x1024xf32, #tpu.memory_space<vmem>>
      %dma_start3A_134 = tpu.memref_squeeze %dma_start3A_133 : memref<1x32x1024xf32, #tpu.memory_space<vmem>> -> memref<32x1024xf32, #tpu.memory_space<vmem>>
      tpu.enqueue_dma source(%dma_start3A_134 : memref<32x1024xf32, #tpu.memory_space<vmem>>) target(%dma_start3A_130 : memref<32x1024xf32, #tpu.memory_space<hbm>>) target_semaphore(%run_scoped3A_122 : memref<!tpu.dma_semaphore, #tpu.memory_space<semaphore_mem>>)
      %dma_wait3A_135 = arith.constant 0 : i32
      %dma_wait3A_136 = arith.constant 0 : i32
      %dma_wait3A_137 = tpu.memref_slice %arg20[%run_scoped3A_121, %dma_wait3A_135, %dma_wait3A_136] : memref<2x32x1024xf32, #tpu.memory_space<vmem>> -> memref<1x32x1024xf32, #tpu.memory_space<vmem>>
      %dma_wait3A_138 = tpu.memref_squeeze %dma_wait3A_137 : memref<1x32x1024xf32, #tpu.memory_space<vmem>> -> memref<32x1024xf32, #tpu.memory_space<vmem>>
      %dma_wait3A_139 = arith.constant 0 : i32
      %dma_wait3A_140 = tpu.memref_slice %arg10[%add3A_120, %dma_wait3A_139] : memref<4096x1024xf32, #tpu.memory_space<hbm>> -> memref<32x1024xf32, #tpu.memory_space<hbm>>
      %dma_wait3A_141 = arith.constant 0 : i32
      %dma_wait3A_142 = tpu.memref_slice %arg10[%add3A_120, %dma_wait3A_141] : memref<4096x1024xf32, #tpu.memory_space<hbm>> -> memref<32x1024xf32, #tpu.memory_space<hbm>>
      %dma_wait3A_143 = arith.constant 0 : i32
      %dma_wait3A_144 = arith.constant 0 : i32
      %dma_wait3A_145 = tpu.memref_slice %arg20[%run_scoped3A_121, %dma_wait3A_143, %dma_wait3A_144] : memref<2x32x1024xf32, #tpu.memory_space<vmem>> -> memref<1x32x1024xf32, #tpu.memory_space<vmem>>
      %dma_wait3A_146 = tpu.memref_squeeze %dma_wait3A_145 : memref<1x32x1024xf32, #tpu.memory_space<vmem>> -> memref<32x1024xf32, #tpu.memory_space<vmem>>
      tpu.wait_dma2 semaphore(%run_scoped3A_122 : memref<!tpu.dma_semaphore, #tpu.memory_space<semaphore_mem>>) src(%dma_wait3A_146 : memref<32x1024xf32, #tpu.memory_space<vmem>>) dst(%dma_wait3A_142 : memref<32x1024xf32, #tpu.memory_space<hbm>>)
      tpu.yield
    }) : () -> ()
    return
  }
}

module attributes {stable_mosaic.version = 14 : i64} {
  func.func @_router_body(%arg0: i32, %arg1: memref<512x1024xf32, #tpu.memory_space<vmem>>, %arg2: memref<8x1024xf32, #tpu.memory_space<vmem>>, %arg3: memref<1x8xf32, #tpu.memory_space<vmem>>, %arg4: memref<1x512xi32, #tpu.memory_space<vmem>>, %arg5: memref<1x512xi32, #tpu.memory_space<vmem>>, %arg6: memref<1x512xf32, #tpu.memory_space<vmem>>, %arg7: memref<1x16xi32, #tpu.memory_space<vmem>>, %arg8: memref<1x8xi32, #tpu.memory_space<vmem>>, %arg9: memref<1x8xf32, #tpu.memory_space<vmem>>) attributes {dimension_semantics = [#tpu.dimension_semantics<arbitrary>], iteration_bounds = array<i64: 8>, scalar_prefetch = 0 : i64, scratch_operands = 1 : i64, tpu.core_type = #tpu.core_type<tc>, window_params = [{transform_indices = @transform_0, window_bounds = array<i64: 512, 1024>}, {pipeline_mode = #tpu.pipeline_mode<synchronous>, transform_indices = @transform_1, window_bounds = array<i64: 8, 1024>}, {pipeline_mode = #tpu.pipeline_mode<synchronous>, transform_indices = @transform_2, window_bounds = array<i64: 1, 8>}, {transform_indices = @transform_3, window_bounds = array<i64: 1, 512>}, {transform_indices = @transform_4, window_bounds = array<i64: 1, 512>}, {transform_indices = @transform_5, window_bounds = array<i64: 1, 512>}, {pipeline_mode = #tpu.pipeline_mode<synchronous>, transform_indices = @transform_6, window_bounds = array<i64: 1, 16>}, {pipeline_mode = #tpu.pipeline_mode<synchronous>, transform_indices = @transform_7, window_bounds = array<i64: 1, 8>}]} {
    %eq3A = arith.constant 0 : i32
    %eq3A_0 = arith.cmpi eq, %arg0, %eq3A : i32
    %convert_element_type3A = arith.extui %eq3A_0 : i1 to i32
    %cond3A = arith.constant 0 : i32
    %cond3A_1 = arith.cmpi ne, %convert_element_type3A, %cond3A : i32
    scf.if %cond3A_1 {
      %broadcast_in_dim3A_67 = arith.constant 0.000000e+00 : f32
      %broadcast_in_dim3A_68 = vector.broadcast %broadcast_in_dim3A_67 : f32 to vector<1x8xf32>
      %swap3A_69 = arith.constant 0 : index
      %swap3A_70 = arith.constant 0 : index
      %swap3A_71 = vector.load %arg9[%swap3A_69, %swap3A_70] : memref<1x8xf32, #tpu.memory_space<vmem>>, vector<1x8xf32>
      tpu.vector_store %arg9[%swap3A_69, %swap3A_70], %broadcast_in_dim3A_68 {strides = array<i32>} : memref<1x8xf32, #tpu.memory_space<vmem>>, vector<1x8xf32>,
    } else {
    }
    %get3A = arith.constant 0 : index
    %get3A_2 = arith.constant 0 : index
    %get3A_3 = vector.load %arg1[%get3A, %get3A_2] : memref<512x1024xf32, #tpu.memory_space<vmem>>, vector<512x1024xf32>
    %get3A_4 = arith.constant 0 : index
    %get3A_5 = arith.constant 0 : index
    %get3A_6 = vector.load %arg2[%get3A_4, %get3A_5] : memref<8x1024xf32, #tpu.memory_space<vmem>>, vector<8x1024xf32>
    %dot_general3A = arith.constant dense<0.000000e+00> : vector<512x8xf32>
    %dot_general3A_7 = tpu.matmul %get3A_3, %get3A_6, %dot_general3A {dimension_numbers = #tpu.dot_dimension_numbers<[1], [1], [0], [0], [0, 0, 1, 0], [], []>, transpose_lhs_hint = false} : vector<512x1024xf32>, vector<8x1024xf32>, vector<512x8xf32> -> vector<512x8xf32>
    %get3A_8 = arith.constant 0 : index
    %get3A_9 = arith.constant 0 : index
    %get3A_10 = vector.load %arg3[%get3A_8, %get3A_9] : memref<1x8xf32, #tpu.memory_space<vmem>>, vector<1x8xf32>
    %add3A = vector.broadcast %get3A_10 : vector<1x8xf32> to vector<512x8xf32>
    %add3A_11 = arith.addf %dot_general3A_7, %add3A : vector<512x8xf32>
    %reduce_max3A = arith.constant dense<0xFF800000> : vector<512xf32>
    %reduce_max3A_12 = vector.multi_reduction <maximumf>, %add3A_11, %reduce_max3A [1] : vector<512x8xf32> to vector<512xf32>
    %broadcast_in_dim3A = vector.shape_cast %reduce_max3A_12 : vector<512xf32> to vector<512x1xf32>
    %sub3A = vector.broadcast %broadcast_in_dim3A : vector<512x1xf32> to vector<512x8xf32>
    %sub3A_13 = arith.subf %add3A_11, %sub3A : vector<512x8xf32>
    %exp3A = math.exp %sub3A_13 : vector<512x8xf32>
    %reduce_sum3A = arith.constant dense<0.000000e+00> : vector<512xf32>
    %reduce_sum3A_14 = vector.multi_reduction <add>, %exp3A, %reduce_sum3A [1] : vector<512x8xf32> to vector<512xf32>
    %broadcast_in_dim3A_15 = vector.shape_cast %reduce_sum3A_14 : vector<512xf32> to vector<512x1xf32>
    %div3A = arith.constant 1.000000e+00 : f32
    %div3A_16 = vector.broadcast %div3A : f32 to vector<512x1xf32>
    %div3A_17 = arith.divf %div3A_16, %broadcast_in_dim3A_15 : vector<512x1xf32>
    %reshape3A = vector.shape_cast %div3A_17 : vector<512x1xf32> to vector<1x512xf32>
    %swap3A = arith.constant 0 : index
    %swap3A_18 = arith.constant 0 : index
    %swap3A_19 = vector.load %arg6[%swap3A, %swap3A_18] : memref<1x512xf32, #tpu.memory_space<vmem>>, vector<1x512xf32>
    tpu.vector_store %arg6[%swap3A, %swap3A_18], %reshape3A {strides = array<i32>} : memref<1x512xf32, #tpu.memory_space<vmem>>, vector<1x512xf32>,
    %iota3A = tpu.iota {dimensions = array<i32: 1>} : vector<512x8xi32>
    %eq3A_20 = vector.broadcast %broadcast_in_dim3A : vector<512x1xf32> to vector<512x8xf32>
    %eq3A_21 = arith.cmpf oeq, %add3A_11, %eq3A_20 : vector<512x8xf32>
    %jit3A = arith.constant 8 : i32
    %broadcast_in_dim3A_22 = vector.broadcast %jit3A : i32 to vector<512x8xi32>
    %select_n3A = arith.select %eq3A_21, %iota3A, %broadcast_in_dim3A_22 : vector<512x8xi1>, vector<512x8xi32>
    %reduce_min3A = arith.constant dense<2147483647> : vector<512xi32>
    %reduce_min3A_23 = vector.multi_reduction <minsi>, %select_n3A, %reduce_min3A [1] : vector<512x8xi32> to vector<512xi32>
    %broadcast_in_dim3A_24 = vector.shape_cast %reduce_min3A_23 : vector<512xi32> to vector<512x1xi32>
    %reshape3A_25 = vector.shape_cast %broadcast_in_dim3A_24 : vector<512x1xi32> to vector<1x512xi32>
    %swap3A_26 = arith.constant 0 : index
    %swap3A_27 = arith.constant 0 : index
    %swap3A_28 = vector.load %arg5[%swap3A_26, %swap3A_27] : memref<1x512xi32, #tpu.memory_space<vmem>>, vector<1x512xi32>
    tpu.vector_store %arg5[%swap3A_26, %swap3A_27], %reshape3A_25 {strides = array<i32>} : memref<1x512xi32, #tpu.memory_space<vmem>>, vector<1x512xi32>,
    %eq3A_29 = vector.broadcast %broadcast_in_dim3A_24 : vector<512x1xi32> to vector<512x8xi32>
    %eq3A_30 = arith.cmpi eq, %eq3A_29, %iota3A : vector<512x8xi32>
    %convert_element_type3A_31 = arith.extui %eq3A_30 : vector<512x8xi1> to vector<512x8xi32>
    %convert_element_type3A_32 = arith.sitofp %convert_element_type3A_31 : vector<512x8xi32> to vector<512x8xf32>
    %iota3A_33 = tpu.iota {dimensions = array<i32: 0>} : vector<512x512xi32>
    %iota3A_34 = tpu.iota {dimensions = array<i32: 1>} : vector<512x512xi32>
    %gt3A = arith.cmpi sgt, %iota3A_33, %iota3A_34 : vector<512x512xi32>
    %convert_element_type3A_35 = arith.extui %gt3A : vector<512x512xi1> to vector<512x512xi32>
    %convert_element_type3A_36 = arith.sitofp %convert_element_type3A_35 : vector<512x512xi32> to vector<512x512xf32>
    %dot_general3A_37 = arith.constant dense<0.000000e+00> : vector<512x8xf32>
    %dot_general3A_38 = tpu.matmul %convert_element_type3A_36, %convert_element_type3A_32, %dot_general3A_37 {dimension_numbers = #tpu.dot_dimension_numbers<[1], [0], [0], [1], [0, 0, 1, 1], [], []>, transpose_lhs_hint = false} : vector<512x512xf32>, vector<512x8xf32>, vector<512x8xf32> -> vector<512x8xf32>
    %get3A_39 = arith.constant 0 : index
    %get3A_40 = arith.constant 0 : index
    %get3A_41 = vector.load %arg9[%get3A_39, %get3A_40] : memref<1x8xf32, #tpu.memory_space<vmem>>, vector<1x8xf32>
    %add3A_42 = vector.broadcast %get3A_41 : vector<1x8xf32> to vector<512x8xf32>
    %add3A_43 = arith.addf %dot_general3A_38, %add3A_42 : vector<512x8xf32>
    %mul3A = arith.mulf %add3A_43, %convert_element_type3A_32 : vector<512x8xf32>
    %reduce_sum3A_44 = arith.constant dense<0.000000e+00> : vector<512xf32>
    %reduce_sum3A_45 = vector.multi_reduction <add>, %mul3A, %reduce_sum3A_44 [1] : vector<512x8xf32> to vector<512xf32>
    %broadcast_in_dim3A_46 = vector.shape_cast %reduce_sum3A_45 : vector<512xf32> to vector<512x1xf32>
    %convert_element_type3A_47 = arith.fptosi %broadcast_in_dim3A_46 : vector<512x1xf32> to vector<512x1xi32>
    %reshape3A_48 = vector.shape_cast %convert_element_type3A_47 : vector<512x1xi32> to vector<1x512xi32>
    %swap3A_49 = arith.constant 0 : index
    %swap3A_50 = arith.constant 0 : index
    %swap3A_51 = vector.load %arg4[%swap3A_49, %swap3A_50] : memref<1x512xi32, #tpu.memory_space<vmem>>, vector<1x512xi32>
    tpu.vector_store %arg4[%swap3A_49, %swap3A_50], %reshape3A_48 {strides = array<i32>} : memref<1x512xi32, #tpu.memory_space<vmem>>, vector<1x512xi32>,
    %get3A_52 = arith.constant 0 : index
    %get3A_53 = arith.constant 0 : index
    %get3A_54 = vector.load %arg9[%get3A_52, %get3A_53] : memref<1x8xf32, #tpu.memory_space<vmem>>, vector<1x8xf32>
    %reduce_sum3A_55 = arith.constant dense<0.000000e+00> : vector<8xf32>
    %reduce_sum3A_56 = vector.multi_reduction <add>, %convert_element_type3A_32, %reduce_sum3A_55 [0] : vector<512x8xf32> to vector<8xf32>
    %broadcast_in_dim3A_57 = vector.shape_cast %reduce_sum3A_56 : vector<8xf32> to vector<1x8xf32>
    %add3A_58 = arith.addf %get3A_54, %broadcast_in_dim3A_57 : vector<1x8xf32>
    %swap3A_59 = arith.constant 0 : index
    %swap3A_60 = arith.constant 0 : index
    %swap3A_61 = vector.load %arg9[%swap3A_59, %swap3A_60] : memref<1x8xf32, #tpu.memory_space<vmem>>, vector<1x8xf32>
    tpu.vector_store %arg9[%swap3A_59, %swap3A_60], %add3A_58 {strides = array<i32>} : memref<1x8xf32, #tpu.memory_space<vmem>>, vector<1x8xf32>,
    %eq3A_62 = arith.constant 7 : i32
    %eq3A_63 = arith.cmpi eq, %arg0, %eq3A_62 : i32
    %convert_element_type3A_64 = arith.extui %eq3A_63 : i1 to i32
    %cond3A_65 = arith.constant 0 : i32
    %cond3A_66 = arith.cmpi ne, %convert_element_type3A_64, %cond3A_65 : i32
    scf.if %cond3A_66 {
      %broadcast_in_dim3A_67 = arith.constant 0.000000e+00 : f32
      %broadcast_in_dim3A_68 = vector.broadcast %broadcast_in_dim3A_67 : f32 to vector<1x8xf32>
      %concatenate3A = tpu.concatenate %add3A_58, %broadcast_in_dim3A_68 in 1 : vector<1x8xf32>, vector<1x8xf32> -> vector<1x16xf32>
      %convert_element_type3A_69 = arith.fptosi %concatenate3A : vector<1x16xf32> to vector<1x16xi32>
      %swap3A_70 = arith.constant 0 : index
      %swap3A_71 = arith.constant 0 : index
      %swap3A_72 = vector.load %arg7[%swap3A_70, %swap3A_71] : memref<1x16xi32, #tpu.memory_space<vmem>>, vector<1x16xi32>
      tpu.vector_store %arg7[%swap3A_70, %swap3A_71], %convert_element_type3A_69 {strides = array<i32>} : memref<1x16xi32, #tpu.memory_space<vmem>>, vector<1x16xi32>,
      %iota3A_73 = tpu.iota {dimensions = array<i32: 0>} : vector<8x8xi32>
      %iota3A_74 = tpu.iota {dimensions = array<i32: 1>} : vector<8x8xi32>
      %reshape3A_75 = vector.shape_cast %add3A_58 : vector<1x8xf32> to vector<8x1xf32>
      %lt3A = arith.cmpi slt, %iota3A_73, %iota3A_74 : vector<8x8xi32>
      %convert_element_type3A_76 = arith.extui %lt3A : vector<8x8xi1> to vector<8x8xi32>
      %convert_element_type3A_77 = arith.sitofp %convert_element_type3A_76 : vector<8x8xi32> to vector<8x8xf32>
      %mul3A_78 = vector.broadcast %reshape3A_75 : vector<8x1xf32> to vector<8x8xf32>
      %mul3A_79 = arith.mulf %mul3A_78, %convert_element_type3A_77 : vector<8x8xf32>
      %reduce_sum3A_80 = arith.constant dense<0.000000e+00> : vector<8xf32>
      %reduce_sum3A_81 = vector.multi_reduction <add>, %mul3A_79, %reduce_sum3A_80 [0] : vector<8x8xf32> to vector<8xf32>
      %broadcast_in_dim3A_82 = vector.shape_cast %reduce_sum3A_81 : vector<8xf32> to vector<1x8xf32>
      %convert_element_type3A_83 = arith.fptosi %broadcast_in_dim3A_82 : vector<1x8xf32> to vector<1x8xi32>
      %swap3A_84 = arith.constant 0 : index
      %swap3A_85 = arith.constant 0 : index
      %swap3A_86 = vector.load %arg8[%swap3A_84, %swap3A_85] : memref<1x8xi32, #tpu.memory_space<vmem>>, vector<1x8xi32>
      tpu.vector_store %arg8[%swap3A_84, %swap3A_85], %convert_element_type3A_83 {strides = array<i32>} : memref<1x8xi32, #tpu.memory_space<vmem>>, vector<1x8xi32>,
    } else {
    }
    return
  }
  func.func @transform_0(%arg0: i32) -> (i32, i32) {
    %c0_i32 = arith.constant 0 : i32
    %c0_i32_0 = arith.constant 0 : i32
    return %arg0, %c0_i32 : i32, i32
  }
  func.func @transform_1(%arg0: i32) -> (i32, i32) {
    %c0_i32 = arith.constant 0 : i32
    %c0_i32_0 = arith.constant 0 : i32
    %c0_i32_1 = arith.constant 0 : i32
    return %c0_i32, %c0_i32_0 : i32, i32
  }
  func.func @transform_2(%arg0: i32) -> (i32, i32) {
    %c0_i32 = arith.constant 0 : i32
    %c0_i32_0 = arith.constant 0 : i32
    %c0_i32_1 = arith.constant 0 : i32
    return %c0_i32, %c0_i32_0 : i32, i32
  }
  func.func @transform_3(%arg0: i32) -> (i32, i32) {
    %c0_i32 = arith.constant 0 : i32
    %c0_i32_0 = arith.constant 0 : i32
    return %c0_i32, %arg0 : i32, i32
  }
  func.func @transform_4(%arg0: i32) -> (i32, i32) {
    %c0_i32 = arith.constant 0 : i32
    %c0_i32_0 = arith.constant 0 : i32
    return %c0_i32, %arg0 : i32, i32
  }
  func.func @transform_5(%arg0: i32) -> (i32, i32) {
    %c0_i32 = arith.constant 0 : i32
    %c0_i32_0 = arith.constant 0 : i32
    return %c0_i32, %arg0 : i32, i32
  }
  func.func @transform_6(%arg0: i32) -> (i32, i32) {
    %c0_i32 = arith.constant 0 : i32
    %c0_i32_0 = arith.constant 0 : i32
    %c0_i32_1 = arith.constant 0 : i32
    return %c0_i32, %c0_i32_0 : i32, i32
  }
  func.func @transform_7(%arg0: i32) -> (i32, i32) {
    %c0_i32 = arith.constant 0 : i32
    %c0_i32_0 = arith.constant 0 : i32
    %c0_i32_1 = arith.constant 0 : i32
    return %c0_i32, %c0_i32_0 : i32, i32
  }
}

module attributes {stable_mosaic.version = 14 : i64} {
  func.func @_mm_body(%arg0: i32, %arg1: memref<15xi32, #tpu.memory_space<smem>>, %arg2: memref<15xi32, #tpu.memory_space<smem>>, %arg3: memref<15xi32, #tpu.memory_space<smem>>, %arg4: memref<9xi32, #tpu.memory_space<smem>>, %arg5: memref<512x1024xf32, #tpu.memory_space<vmem>>, %arg6: memref<1x1x512xf32, #tpu.memory_space<vmem>>, %arg7: memref<1x1024x1024xf32, #tpu.memory_space<vmem>>, %arg8: memref<1x1x1024xf32, #tpu.memory_space<vmem>>, %arg9: memref<512x1024xf32, #tpu.memory_space<vmem>>) attributes {dimension_semantics = [#tpu.dimension_semantics<arbitrary>], iteration_bounds = array<i64: 15>, scalar_prefetch = 4 : i64, scratch_operands = 0 : i64, tpu.core_type = #tpu.core_type<tc>, window_params = [{transform_indices = @transform_0, window_bounds = array<i64: 512, 1024>}, {transform_indices = @transform_1, window_bounds = array<i64: 1, 1, 512>}, {transform_indices = @transform_2, window_bounds = array<i64: 1, 1024, 1024>}, {transform_indices = @transform_3, window_bounds = array<i64: 1, 1, 1024>}, {transform_indices = @transform_4, window_bounds = array<i64: 512, 1024>}]} {
    %get3A = arith.index_cast %arg0 : i32 to index
    %get3A_0 = memref.load %arg1[%get3A] : memref<15xi32, #tpu.memory_space<smem>>
    %get3A_1 = arith.index_cast %arg0 : i32 to index
    %get3A_2 = memref.load %arg2[%get3A_1] : memref<15xi32, #tpu.memory_space<smem>>
    %mul3A = arith.constant 512 : i32
    %mul3A_3 = arith.muli %get3A_0, %mul3A : i32
    %eq3A = arith.constant 0 : i32
    %eq3A_4 = arith.cmpi eq, %arg0, %eq3A : i32
    %sub3A = arith.constant 1 : i32
    %sub3A_5 = arith.subi %arg0, %sub3A : i32
    %max3A = arith.constant 0 : i32
    %max3A_6 = arith.maxsi %sub3A_5, %max3A : i32
    %get3A_7 = arith.index_cast %max3A_6 : i32 to index
    %get3A_8 = memref.load %arg1[%get3A_7] : memref<15xi32, #tpu.memory_space<smem>>
    %ne3A = arith.cmpi ne, %get3A_0, %get3A_8 : i32
    %or3A = arith.ori %eq3A_4, %ne3A : i1
    %convert_element_type3A = arith.extui %or3A : i1 to i32
    %cond3A = arith.constant 0 : i32
    %cond3A_9 = arith.cmpi ne, %convert_element_type3A, %cond3A : i32
    scf.if %cond3A_9 {
      %broadcast_in_dim3A = arith.constant 0.000000e+00 : f32
      %broadcast_in_dim3A_17 = vector.broadcast %broadcast_in_dim3A : f32 to vector<512x1024xf32>
      %swap3A = arith.constant 0 : index
      %swap3A_18 = arith.constant 0 : index
      %swap3A_19 = vector.load %arg9[%swap3A, %swap3A_18] : memref<512x1024xf32, #tpu.memory_space<vmem>>, vector<512x1024xf32>
      tpu.vector_store %arg9[%swap3A, %swap3A_18], %broadcast_in_dim3A_17 {strides = array<i32>} : memref<512x1024xf32, #tpu.memory_space<vmem>>, vector<512x1024xf32>,
    } else {
    }
    %get3A_10 = arith.index_cast %arg0 : i32 to index
    %get3A_11 = memref.load %arg3[%get3A_10] : memref<15xi32, #tpu.memory_space<smem>>
    %eq3A_12 = arith.constant 1 : i32
    %eq3A_13 = arith.cmpi eq, %get3A_11, %eq3A_12 : i32
    %convert_element_type3A_14 = arith.extui %eq3A_13 : i1 to i32
    %cond3A_15 = arith.constant 0 : i32
    %cond3A_16 = arith.cmpi ne, %convert_element_type3A_14, %cond3A_15 : i32
    scf.if %cond3A_16 {
      %get3A_17 = arith.index_cast %get3A_2 : i32 to index
      %get3A_18 = memref.load %arg4[%get3A_17] : memref<9xi32, #tpu.memory_space<smem>>
      %add3A = arith.constant 1 : i32
      %add3A_19 = arith.addi %get3A_2, %add3A : i32
      %get3A_20 = arith.index_cast %add3A_19 : i32 to index
      %get3A_21 = memref.load %arg4[%get3A_20] : memref<9xi32, #tpu.memory_space<smem>>
      %get3A_22 = arith.constant 0 : index
      %get3A_23 = arith.constant 0 : index
      %get3A_24 = vector.load %arg5[%get3A_22, %get3A_23] : memref<512x1024xf32, #tpu.memory_space<vmem>>, vector<512x1024xf32>
      %get3A_25 = arith.constant 0 : index
      %get3A_26 = arith.constant 0 : index
      %get3A_27 = arith.constant 0 : index
      %get3A_28 = vector.load %arg7[%get3A_25, %get3A_26, %get3A_27] : memref<1x1024x1024xf32, #tpu.memory_space<vmem>>, vector<1x1024x1024xf32>
      %get3A_29 = vector.shape_cast %get3A_28 : vector<1x1024x1024xf32> to vector<1024x1024xf32>
      %dot_general3A = arith.constant dense<0.000000e+00> : vector<512x1024xf32>
      %dot_general3A_30 = tpu.matmul %get3A_24, %get3A_29, %dot_general3A {dimension_numbers = #tpu.dot_dimension_numbers<[1], [1], [0], [0], [0, 0, 1, 0], [], []>, transpose_lhs_hint = false} : vector<512x1024xf32>, vector<1024x1024xf32>, vector<512x1024xf32> -> vector<512x1024xf32>
      %get3A_31 = arith.constant 0 : index
      %get3A_32 = arith.constant 0 : index
      %get3A_33 = arith.constant 0 : index
      %get3A_34 = vector.load %arg8[%get3A_31, %get3A_32, %get3A_33] : memref<1x1x1024xf32, #tpu.memory_space<vmem>>, vector<1x1x1024xf32>
      %get3A_35 = vector.shape_cast %get3A_34 : vector<1x1x1024xf32> to vector<1x1024xf32>
      %add3A_36 = vector.broadcast %get3A_35 : vector<1x1024xf32> to vector<512x1024xf32>
      %add3A_37 = arith.addf %dot_general3A_30, %add3A_36 : vector<512x1024xf32>
      %iota3A = tpu.iota {dimensions = array<i32: 0>} : vector<512x1xi32>
      %add3A_38 = vector.broadcast %mul3A_3 : i32 to vector<512x1xi32>
      %add3A_39 = arith.addi %add3A_38, %iota3A : vector<512x1xi32>
      %ge3A = vector.broadcast %get3A_18 : i32 to vector<512x1xi32>
      %ge3A_40 = arith.cmpi sge, %add3A_39, %ge3A : vector<512x1xi32>
      %lt3A = vector.broadcast %get3A_21 : i32 to vector<512x1xi32>
      %lt3A_41 = arith.cmpi slt, %add3A_39, %lt3A : vector<512x1xi32>
      %and3A = arith.andi %ge3A_40, %lt3A_41 : vector<512x1xi1>
      %get3A_42 = arith.constant 0 : index
      %get3A_43 = arith.constant 0 : index
      %get3A_44 = arith.constant 0 : index
      %get3A_45 = vector.load %arg6[%get3A_42, %get3A_43, %get3A_44] : memref<1x1x512xf32, #tpu.memory_space<vmem>>, vector<1x1x512xf32>
      %get3A_46 = vector.shape_cast %get3A_45 : vector<1x1x512xf32> to vector<512xf32>
      %reshape3A = vector.shape_cast %get3A_46 : vector<512xf32> to vector<512x1xf32>
      %jit3A = arith.constant 0.000000e+00 : f32
      %broadcast_in_dim3A = vector.broadcast %jit3A : f32 to vector<512x1xf32>
      %select_n3A = arith.select %and3A, %reshape3A, %broadcast_in_dim3A : vector<512x1xi1>, vector<512x1xf32>
      %get3A_47 = arith.constant 0 : index
      %get3A_48 = arith.constant 0 : index
      %get3A_49 = vector.load %arg9[%get3A_47, %get3A_48] : memref<512x1024xf32, #tpu.memory_space<vmem>>, vector<512x1024xf32>
      %mul3A_50 = vector.broadcast %select_n3A : vector<512x1xf32> to vector<512x1024xf32>
      %mul3A_51 = arith.mulf %add3A_37, %mul3A_50 : vector<512x1024xf32>
      %add3A_52 = arith.addf %get3A_49, %mul3A_51 : vector<512x1024xf32>
      %swap3A = arith.constant 0 : index
      %swap3A_53 = arith.constant 0 : index
      %swap3A_54 = vector.load %arg9[%swap3A, %swap3A_53] : memref<512x1024xf32, #tpu.memory_space<vmem>>, vector<512x1024xf32>
      tpu.vector_store %arg9[%swap3A, %swap3A_53], %add3A_52 {strides = array<i32>} : memref<512x1024xf32, #tpu.memory_space<vmem>>, vector<512x1024xf32>,
    } else {
    }
    return
  }
  func.func @transform_0(%arg0: i32, %arg1: memref<15xi32, #tpu.memory_space<smem>>, %arg2: memref<15xi32, #tpu.memory_space<smem>>, %arg3: memref<15xi32, #tpu.memory_space<smem>>, %arg4: memref<9xi32, #tpu.memory_space<smem>>) -> (i32, i32) {
    %get3A = arith.index_cast %arg0 : i32 to index
    %get3A_0 = memref.load %arg1[%get3A] : memref<15xi32, #tpu.memory_space<smem>>
    %c0_i32 = arith.constant 0 : i32
    %c0_i32_1 = arith.constant 0 : i32
    return %get3A_0, %c0_i32 : i32, i32
  }
  func.func @transform_1(%arg0: i32, %arg1: memref<15xi32, #tpu.memory_space<smem>>, %arg2: memref<15xi32, #tpu.memory_space<smem>>, %arg3: memref<15xi32, #tpu.memory_space<smem>>, %arg4: memref<9xi32, #tpu.memory_space<smem>>) -> (i32, i32, i32) {
    %get3A = arith.index_cast %arg0 : i32 to index
    %get3A_0 = memref.load %arg1[%get3A] : memref<15xi32, #tpu.memory_space<smem>>
    %c0_i32 = arith.constant 0 : i32
    %c0_i32_1 = arith.constant 0 : i32
    %c0_i32_2 = arith.constant 0 : i32
    return %get3A_0, %c0_i32, %c0_i32_1 : i32, i32, i32
  }
  func.func @transform_2(%arg0: i32, %arg1: memref<15xi32, #tpu.memory_space<smem>>, %arg2: memref<15xi32, #tpu.memory_space<smem>>, %arg3: memref<15xi32, #tpu.memory_space<smem>>, %arg4: memref<9xi32, #tpu.memory_space<smem>>) -> (i32, i32, i32) {
    %get3A = arith.index_cast %arg0 : i32 to index
    %get3A_0 = memref.load %arg2[%get3A] : memref<15xi32, #tpu.memory_space<smem>>
    %c0_i32 = arith.constant 0 : i32
    %c0_i32_1 = arith.constant 0 : i32
    %c0_i32_2 = arith.constant 0 : i32
    return %get3A_0, %c0_i32, %c0_i32_1 : i32, i32, i32
  }
  func.func @transform_3(%arg0: i32, %arg1: memref<15xi32, #tpu.memory_space<smem>>, %arg2: memref<15xi32, #tpu.memory_space<smem>>, %arg3: memref<15xi32, #tpu.memory_space<smem>>, %arg4: memref<9xi32, #tpu.memory_space<smem>>) -> (i32, i32, i32) {
    %get3A = arith.index_cast %arg0 : i32 to index
    %get3A_0 = memref.load %arg2[%get3A] : memref<15xi32, #tpu.memory_space<smem>>
    %c0_i32 = arith.constant 0 : i32
    %c0_i32_1 = arith.constant 0 : i32
    %c0_i32_2 = arith.constant 0 : i32
    return %get3A_0, %c0_i32, %c0_i32_1 : i32, i32, i32
  }
  func.func @transform_4(%arg0: i32, %arg1: memref<15xi32, #tpu.memory_space<smem>>, %arg2: memref<15xi32, #tpu.memory_space<smem>>, %arg3: memref<15xi32, #tpu.memory_space<smem>>, %arg4: memref<9xi32, #tpu.memory_space<smem>>) -> (i32, i32) {
    %get3A = arith.index_cast %arg0 : i32 to index
    %get3A_0 = memref.load %arg1[%get3A] : memref<15xi32, #tpu.memory_space<smem>>
    %c0_i32 = arith.constant 0 : i32
    %c0_i32_1 = arith.constant 0 : i32
    return %get3A_0, %c0_i32 : i32, i32
  }
}

</mosaic_0001>

<sc_bundles>
// kernel: kernel.6.cloned.1.call-start
scs
__scs_entry_jumppad:
0x0: {  	(pc) =	sbr.rel $0x88, $3  }
0x1: {  	(tag) =	ssettag $0x0;
	lr =	simm.s32 $0x1  }
0x2: {  	[smem:$0x3F9C] =	sst lr;
	_ =	strace $0xD0000000  }
0x3: {  	_ = 	snop  }
0x4: {  	_ = 	snop  }
0x5: {  	_ = 	snop  }
0x6: {  	_ = 	snop  }
0x7: {  	_ = 	snop  }
__scs_overlays_trampoline_lowered:
0x8: {  	[smem:$0x3FAB] =	sst s0  }
0x9: {  	[smem:$0x3FAC] =	sst s1  }
0xa: {  	[smem:$0x3FAD] =	sst s2  }
0xb: {  	[smem:$0x3FAE] =	sst s3  }
0xc: {  	[smem:$0x3FAF] =	sst s4  }
0xd: {  	[smem:$0x3FB0] =	sst s5  }
0xe: {  	[smem:$0x3FB1] =	sst s6  }
0xf: {  	[smem:$0x3FB2] =	sst s7  }
0x10: {  	[smem:$0x3FB3] =	sst s8  }
0x11: {  	[smem:$0x3FB4] =	sst s9;
	s0 =	simm.s32 @!p0 $0x0  }
0x12: {  	s1 =	sld [smem:$0x3F9A];
	s0 =	simm.s32 @p0 $0x1  }
0x13: {  	[smem:$0x3FB5] =	sst s0;
	s0 =	simm.s32 @!p1 $0x0  }
0x14: {  	s2 =	sld [smem:$0x3F99];
	s0 =	simm.s32 @p1 $0x1  }
0x15: {  	[smem:$0x3FB6] =	sst s0;
	s0 =	simm.s32 @!p2 $0x0  }
0x16: {  	s3 =	sld [smem:$0x3FDB];
	s0 =	simm.s32 @p2 $0x1  }
0x17: {  	s4 =	simm.s32 $0x1BF5;
	[smem:$0x3FB8] =	sst s0  }
0x18: {  	s0 =	sld [smem:$0x3F9B];
	_ =	swait.ge [sflag:s4], $0x0  }
0x19: {  	s7 =	sld [smem:$0x3F9C]  }
0x1a: {  	s8 =	sadd.s32 $0xFFFFE003, lr  }
0x1b: {  	s9 =	sadd.s32 $0xFFFFFEF7, lr;
	s5 =	simm.s32 $0xFFFFFFFF;
	p2 =	slt.u32 s8, $0xFFFFF086  }
0x1c: {  	p1 =	slt.u32 s9, $0xF7A;
	s5 =	simm.s32 @!p2 $0x0  }
0x1d: {  	s5 =	simm.s32 @p1 $0x1;
	p0 =	seq.s32 s7, s2  }
0x1e: {  	s7 =	smul.u32 @!p0 $0xF7A, s2;
	p2 =	seq.s32 @!p0 s5, $0x0  }
0x1f: {  	s9 =	smul.u32 $0xF7A, s1;
	s8 =	simm.s32 @!p0 $0x1BF5;
	p2 =	por !p2, p0  }
0x20: {  	[sflag:s8] =	ssyncset.s32 @!p0 $0xFFFFF086;
	s6 =	sadd.s32 @!p0 s3, s7;
	s7 =	simm.s32 @!p0 $0x108  }
0x21: {  	s3 =	sadd.s32 s3, s9;
	s6 =	sadd.s32 @!p0 $0x88, s6;
	s7 =	simm.s32 @p2 $0x1082  }
0x22: {  	[simem:s7], [sflag:s8] =	dma.local @!p0 [hbm:s6], $0xF7A  }
0x23: {  	s9 =	sor.u32 $0xD0000000, s2;
	s6 =	simm.s32 $0x108;
	_ =	swait.ge @!p0 [sflag:s8], $0x0  }
0x24: {  	s3 =	sadd.s32 $0x88, s3;
	s6 =	simm.s32 @!p1 $0x1082;
	[sflag:s4] =	ssyncset.s32 $0xFFFFF086  }
0x25: {  	[simem:s6], [sflag:s4] =	dma.local [hbm:s3], $0xF7A  }
0x26: {  	[smem:$0x3F9C] =	sst s1;
	(tag) =	ssettag s2;
	_ =	strace s9  }
0x27: {  	s1 =	sld [smem:$0x3FAC]  }
0x28: {  	s2 =	sld [smem:$0x3FAD]  }
0x29: {  	s4 =	sld [smem:$0x3FAF]  }
0x2a: {  	p0 =	seq.s32 s5, $0x0;
	s5 =	sld [smem:$0x3FB0]  }
0x2b: {  	s6 =	sld [smem:$0x3FB1]  }
0x2c: {  	s7 =	sld [smem:$0x3FB2]  }
0x2d: {  	s3 =	simm.s32 $0x108;
	s8 =	sld [smem:$0x3FB3]  }
0x2e: {  	s3 =	simm.s32 @!p0 $0x1082;
	s9 =	sld [smem:$0x3FB4]  }
0x2f: {  	lr =	sadd.s32 s0, s3;
	s0 =	sld [smem:$0x3FAB]  }
0x30: {  	s3 =	sld [smem:$0x3FAE]  }
0x31: {  	[smem:$0x3FB7] =	sst s10  }
0x32: {  	s10 =	sld [smem:$0x3FB5];
	_ =	sdelay $0x3  }
0x33: {  	p0 =	seq.s32 s10, $0x1;
	s10 =	sld [smem:$0x3FB7];
	_ =	sdelay $0x3  }
0x34: {  	[smem:$0x3FB7] =	sst s10  }
0x35: {  	s10 =	sld [smem:$0x3FB6];
	_ =	sdelay $0x3  }
0x36: {  	p1 =	seq.s32 s10, $0x1;
	s10 =	sld [smem:$0x3FB7];
	_ =	sdelay $0x3  }
0x37: {  	[smem:$0x3FB7] =	sst s10  }
0x38: {  	s10 =	sld [smem:$0x3FB8]  }
0x39: {  	_ = 	snop;
	(pc) =	sbr.ind lr, $3  }
0x3a: {  	_ = 	snop  }
0x3b: {  	_ = 	snop  }
0x3c: {  	p2 =	seq.s32 s10, $0x1;
	s10 =	sld [smem:$0x3FB7]  }
0x3d: {  	_ =	shalt  }
0x3e: {  	_ =	shalt  }
0x3f: {  	_ =	shalt  }
0x40: {  	_ =	shalt  }
0x41: {  	_ =	shalt  }
0x42: {  	_ =	shalt  }
0x43: {  	_ =	shalt  }
0x44: {  	_ =	shalt  }
0x45: {  	_ =	shalt  }
0x46: {  	_ =	shalt  }
0x47: {  	_ =	shalt  }
0x48: {  	_ =	shalt  }
0x49: {  	_ =	shalt  }
0x4a: {  	_ =	shalt  }
0x4b: {  	_ =	shalt  }
0x4c: {  	_ =	shalt  }
0x4d: {  	_ =	shalt  }
0x4e: {  	_ =	shalt  }
0x4f: {  	_ =	shalt  }
0x50: {  	_ =	shalt  }
0x51: {  	_ =	shalt  }
0x52: {  	_ =	shalt  }
0x53: {  	_ =	shalt  }
0x54: {  	_ =	shalt  }
0x55: {  	_ =	shalt  }
0x56: {  	_ =	shalt  }
0x57: {  	_ =	shalt  }
0x58: {  	_ =	shalt  }
0x59: {  	_ =	shalt  }
0x5a: {  	_ =	shalt  }
0x5b: {  	_ =	shalt  }
0x5c: {  	_ =	shalt  }
0x5d: {  	_ =	shalt  }
0x5e: {  	_ =	shalt  }
0x5f: {  	_ =	shalt  }
0x60: {  	_ =	shalt  }
0x61: {  	_ =	shalt  }
0x62: {  	_ =	shalt  }
0x63: {  	_ =	shalt  }
0x64: {  	_ =	shalt  }
0x65: {  	_ =	shalt  }
0x66: {  	_ =	shalt  }
0x67: {  	_ =	shalt  }
0x68: {  	_ =	shalt  }
0x69: {  	_ =	shalt  }
0x6a: {  	_ =	shalt  }
0x6b: {  	_ =	shalt  }
0x6c: {  	_ =	shalt  }
0x6d: {  	_ =	shalt  }
0x6e: {  	_ =	shalt  }
0x6f: {  	_ =	shalt  }
0x70: {  	_ =	shalt  }
0x71: {  	_ =	shalt  }
0x72: {  	_ =	shalt  }
0x73: {  	_ =	shalt  }
0x74: {  	_ =	shalt  }
0x75: {  	_ =	shalt  }
0x76: {  	_ =	shalt  }
0x77: {  	_ =	shalt  }
0x78: {  	_ =	shalt  }
0x79: {  	_ =	shalt  }
0x7a: {  	_ =	shalt  }
0x7b: {  	_ =	shalt  }
0x7c: {  	_ =	shalt  }
0x7d: {  	_ =	shalt  }
0x7e: {  	_ =	shalt  }
0x7f: {  	_ =	shalt  }
0x80: {  	_ =	shalt  }
0x81: {  	_ =	shalt  }
0x82: {  	_ =	shalt  }
0x83: {  	_ =	shalt  }
0x84: {  	_ =	shalt  }
0x85: {  	_ =	shalt  }
0x86: {  	_ =	shalt  }
0x87: {  	_ =	shalt  }
.Lfunc_end0:
.L_simem_size_0:
called_computation_lowered:
.L_overlay_start_0:
0x88: {  	s2 =	sld [smem:$0x3FD9]  }
0x89: {  	s3 =	sld [smem:$0x3FFE];
	_ =	sdelay $0x1  }
0x8a: {  	s1 =	srdreg.scid  }
0x8b: {  	s0 =	sand.u32 $0x1, s1  }
0x8c: {  	s17 =	sshll.u32 s0, $0xA;
	s2 =	sadd.s32 s3, s2  }
0x8d: {  	s2 =	sadd.s32 s2, s17  }
0x8e: {  	[smem:$0x3FC3] =	sst s2  }
0x8f: {  	_ = 	snop  }
0x90: {  	s2 =	sld [smem:$0x3FC9]  }
0x91: {  	s18 =	sld [smem:$0x3FD0];
	(tm) =	ssettm $0x1  }
0x92: {  	s4 =	sld [smem:$0x3FFB];
	_ =	sdelay $0x3  }
0x93: {  	_ =	strace s4  }
0x94: {  	s4 =	sld [smem:$0x3FFC];
	_ =	sdelay $0x3  }
0x95: {  	_ =	strace s4  }
0x96: {  	s4 =	sld [smem:$0x3FFD];
	_ =	sdelay $0x3  }
0x97: {  	_ =	strace s4  }
0x98: {  	_ =	strace $0x8FFFFFFF  }
0x99: {  	s19 =	sld [smem:$0x3FDB];
	_ =	sdelay $0x1  }
0x9a: {  	s5 =	simm.s32 $_scs_section_size  }
0x9b: {  	s6 =	simm.s32 $_size__tile_overlayer_lowered;
	s7 =	simm.s32 $_tile_overlayer_lowered  }
0x9c: {  	s22 =	simm.s32 $0x1BFF;
	s21 =	sshll.u32 s7, $0x1;
	s4 =	sadd.s32 s5, s19  }
0x9d: {  	s8 =	simm.s32 $0x0;
	s20 =	sshll.u32 s6, $0x1;
	s6 =	sadd.s32 s21, s4  }
0x9e: {  	[timem:s8], [sflag:s22] =	dma.local [hbm:s6], s20  }
0x9f: {  	_ =	swait.ge [sflag:s22], s20  }
0xa0: {  	s5 =	ssub.s32 $0x0, s20;
	[sflag:s22] =	ssyncset.done $0x0  }
0xa1: {  	[sflag:s22] =	ssyncadd.s32 s5;
	_ =	sdelay $0x1  }
0xa2: {  	s23 =	simm.s32 $0x1B8B  }
0xa3: {  	_ =	swait.ge [sflag:s23], $0x1  }
0xa4: {  	[sflag:s23] =	ssyncset.done $0x0  }
0xa5: {  	s25 =	simm.s32 $0x1B8E;
	s24 =	sld [smem:$0x3FFE];
	[sflag:s23] =	ssyncadd.s32 $0xFFFFFFFF  }
0xa6: {  	s26 =	simm.s32 $execute0_lowered;
	[smem:$0x3FD2] =	sst s25  }
0xa7: {  	s6 =	sshll.u32 s26, $0x1;
	_ =	strace $0x80000046;
	[dreg:$0x1] =	wrdreg $0xFFFFFFFF  }
0xa8: {  	s28 =	simm.s32 $_size_execute0_lowered;
	s4 =	sadd.s32 s4, s6;
	[dreg:$0x0] =	wrdreg $0x0  }
0xa9: {  	s6 =	sshll.u32 s28, $0x1;
	[dreg:$0x2] =	wrdreg s4  }
0xaa: {  	[dreg:$0x3] =	wrdreg s6  }
0xab: {  	[dreg:$0x4] =	wrdreg $0xC0  }
0xac: {  	_ =	task [dreg:s8], $0x5FFFF  }
0xad: {  	[dreg:$0x1] =	wrdreg $0xFFFFFFFF  }
0xae: {  	[dreg:$0x0] =	wrdreg $0x60  }
0xaf: {  	[dreg:$0x2] =	wrdreg s2  }
0xb0: {  	[dreg:$0x3] =	wrdreg s24  }
0xb1: {  	[dreg:$0x4] =	wrdreg s18  }
0xb2: {  	[dreg:$0x5] =	wrdreg $0x60800  }
0xb3: {  	[dreg:$0x6] =	wrdreg $0x9  }
0xb4: {  	_ =	task.clear_ibuf [dreg:s8], $0x7FFFF;
	_ =	strace $0x90000046  }
0xb5: {  	s29 =	simm.s32 $0x9;
	_ =	strace $0x80000048  }
0xb6: {  	_ =	swait.ge [sflag:s29], $0x1  }
0xb7: {  	[sflag:s29] =	ssyncadd.s32 $0xFFFFFFFF  }
0xb8: {  	_ =	strace $0x90000048  }
0xb9: {  	_ =	sfence  }
0xba: {  	s30 =	sld [smem:$0x0];
	_ =	sdelay $0x2  }
0xbb: {  	s31 =	sshll.u32 s1, $0xD;
	s1 =	sshrl.u32 s1, $0x2  }
0xbc: {  	s3 =	sand.u32 $0x4000, s31;
	s1 =	sadd.s32 s1, s30  }
0xbd: {  	s0 =	sor.u32 s3, s0;
	s1 =	sshll.u32 s1, $0x11  }
0xbe: {  	s0 =	sor.u32 s1, s0  }
0xbf: {  	s0 =	sadd.s32 $0x8F2B, s0  }
0xc0: {  	[sflag:s0] =	ssyncadd.remote.s32 $0x1  }
0xc1: {  	_ =	sfence.sel $0xFFFF  }
0xc2: {  	[dreg:$0x0] =	wrdreg $0xFFFFFFFF;
	(pc) =	sbr.abs _section_cstart, $3  }
0xc3: {  	[dreg:$0x1] =	wrdreg $0xFFFFFFFF  }
0xc4: {  	_ =	task.clear_ibuf [dreg:s8], $0x2FFFF;
	_ =	strace $0x9FFFFFFF  }
0xc5: {  	(tm) =	ssettm $0x7FFFFFFF  }
tec
execute0_lowered:
.L_overlay_start_1:
0x0: {  	(tag) =	ssettag $0x1  }
0x1: {  	s1 =	rddreg [dreg:$0x0]  }
0x2: {  	s0 =	rddreg [dreg:$0x1]  }
0x3: {  	s2 =	rddreg [dreg:$0x2]  }
0x4: {  	s10 =	rddreg [dreg:$0x3]  }
0x5: {  	s3 =	simm.s32 $0x0;
	s15 =	srdreg.scid;
	s16 =	stileid.u32  }
0x6: {  	s11 =	simm.s32 $0x1;
	[smem:$0x7FF] =	sst s3;
	s4 =	sadd.s32 $0x1200, s0  }
0x7: {  	s12 =	sadd.s32 $0x1400, s0;
	_ =	strace $0x80000047;
	[dreg:$0x5] =	wrdreg s4  }
0x8: {  	s30 =	simm.s32 $0x6280;
	s13 =	sadd.s32 $0x1600, s0;
	[dreg:$0x6] =	wrdreg s12  }
0x9: {  	s28 =	simm.s32 $0x8280;
	s14 =	sadd.s32 $0x1800, s0;
	[dreg:$0x7] =	wrdreg s13  }
0xa: {  	s29 =	simm.s32 $0xAA80;
	s5 =	sadd.s32 $0x1A00, s0;
	[dreg:$0x8] =	wrdreg s14  }
0xb: {  	s31 =	simm.s32 $0x11280;
	s9 =	sadd.s32 $0x1C00, s0;
	[dreg:$0x9] =	wrdreg s5  }
0xc: {  	s7 =	sshll.u32 s16, $0x8;
	s0 =	sadd.s32 $0x1E00, s0;
	[dreg:$0xa] =	wrdreg s9  }
0xd: {  	p0 =	sne.s32 s16, $0x0;
	s4 =	sand.u32 $0x1, s15;
	[dreg:$0xb] =	wrdreg s0  }
0xe: {  	s12 =	sadd.s32 $0x100, s1;
	s13 =	sadd.s32 $0x200, s1;
	s14 =	sadd.s32 $0x300, s1  }
0xf: {  	s15 =	simm.s32 $0x0;
	s5 =	simm.s32 $0x6A80;
	s6 =	ssub.s32 $0x2, s4  }
0x10: {  	s9 =	simm.s32 $0x9A80;
	s8 =	sshll.u32 s4, $0x7;
	s17 =	sshrl.u32 s6, $0x1  }
0x11: {  	p1 =	sne.s32 s4, $0x0;
	s7 =	sor.u32 s8, s7;
	s18 =	ssub.s32 s6, s17  }
0x12: {  	s19 =	sadd.s32 s7, s10;
	s20 =	sor.u32 $0x20, s7;
	s22 =	sshll.u32 s7, $0x7  }
0x13: {  	s23 =	sor.u32 $0x40, s7;
	s25 =	sor.u32 $0x60, s7;
	[dreg:$0xc] =	wrdreg s19  }
0x14: {  	s21 =	sadd.s32 s20, s10;
	s8 =	sadd.s32 s2, s22;
	s6 =	sshll.u32 s20, $0x7  }
0x15: {  	s24 =	sadd.s32 s23, s10;
	s7 =	sadd.s32 s25, s10;
	s26 =	sshll.u32 s23, $0x7  }
0x16: {  	s0 =	smax.u32 s18, $0x1;
	s23 =	simm.s32 $0x2;
	[dreg:$0xd] =	wrdreg s21  }
0x17: {  	s10 =	simm.s32 $0xA280;
	s19 =	simm.s32 $0xC280;
	[dreg:$0xe] =	wrdreg s8  }
0x18: {  	s22 =	simm.s32 $0xDA80;
	[dreg:$0xf] =	wrdreg s24;
	s6 =	sadd.s32 s2, s6  }
.Ltmp0:
0x19: {  	[dreg:$0x11] =	wrdreg s7;
	s7 =	sadd.s32 s2, s26;
	(pc) =	sbr.rel .LBB2_1-.Ltmp0, $4  }
0x1a: {  	[dreg:$0x14] =	wrdreg s0;
	s24 =	simm.s32 $0x3000;
	s26 =	simm.s32 $0x4080  }
0x1b: {  	v0 =	vlaneseq.u32;
	s8 =	simm.s32 $0x9280;
	[dreg:$0x10] =	wrdreg s6;
	s6 =	sshll.u32 s25, $0x7  }
0x1c: {  	vm0 =	vmmov $0xffff;
	v2 =	vshrl.u32 v0, $0x3;
	[dreg:$0x12] =	wrdreg s7;
	s25 =	simm.s32 $0x3080;
	s2 =	sadd.s32 s2, s6  }
0x1d: {  	v1 =	vand.u32 $0x7, v0;
	v3 =	vor.u32 $0x8, v0;
	v2 =	vmul.u32 $0x8, v2;
	s7 =	simm.s32 $0x8A80;
	s6 =	simm.s32 $0x7280;
	[dreg:$0x13] =	wrdreg s2  }
.LBB2_4:
0x1e: {  	s16 =	rddreg [dreg:$0x3]  }
0x1f: {  	[spmem:s16] =	stream.linear.scatter [tilespmem:s25], [sflag:$0x2], $0x1000, $0x38;
	[tilespmem:$0x16280] =	vst v63  }
0x20: {  	_ =	swait.ge [sflag:s23], $0x1000  }
0x21: {  	s17 =	simm.s32 @!p1 $0x3080;
	[sflag:s23] =	ssyncset.done $0x0  }
0x22: {  	s16 =	simm.s32 @!p1 $0x0;
	s18 =	rddreg [dreg:$0x9];
	[sflag:s23] =	ssyncadd.s32 $0xFFFFF000  }
0x23: {  	[hbm4b:s18+s16] =	stream.linear.scatter @!p1 [tilespmem:s17], [sflag:$0x2], $0x1000, $0x38;
	[tilespmem:$0x16280] =	vst v63  }
0x24: {  	s17 =	simm.s32 @!p1 $0x2  }
0x25: {  	_ =	swait.ge @!p1 [sflag:s17], $0x1000  }
0x26: {  	[sflag:s17] =	ssyncset.done @!p1 $0x0  }
0x27: {  	s18 =	simm.s32 @!p1 $0x4080;
	s20 =	rddreg [dreg:$0xa];
	[sflag:s17] =	ssyncadd.s32 @!p1 $0xFFFFF000  }
0x28: {  	[hbm4b:s20+s16] =	stream.linear.scatter @!p1 [tilespmem:s18], [sflag:$0x2], $0x1000, $0x38;
	[tilespmem:$0x16280] =	vst v63  }
0x29: {  	_ =	swait.ge @!p1 [sflag:s17], $0x1000  }
0x2a: {  	[sflag:s17] =	ssyncset.done @!p1 $0x0  }
0x2b: {  	s18 =	simm.s32 @!p1 $0x5080;
	s20 =	rddreg [dreg:$0xb];
	[sflag:s17] =	ssyncadd.s32 @!p1 $0xFFFFF000  }
0x2c: {  	[hbm4b:s20+s16] =	stream.linear.scatter @!p1 [tilespmem:s18], [sflag:$0x2], $0x1000, $0x38;
	[tilespmem:$0x16280] =	vst v63  }
0x2d: {  	_ =	swait.ge @!p1 [sflag:s17], $0x1000  }
0x2e: {  	[sflag:s17] =	ssyncset.done @!p1 $0x0  }
0x2f: {  	[sflag:s17] =	ssyncadd.s32 @!p1 $0xFFFFF000  }
.LBB2_5:
0x30: {  	[bflag:$0x0] =	sbarrier.arrive $0xFFFF  }
0x31: {  	s4 =	simm.s32 $0x6180;
	s0 =	rddreg [dreg:$0xc]  }
0x32: {  	[tilespmem:s4], [sflag:$0x2] =	stream.linear.gather [spmem:s0], $0x20, $0x38;
	[tilespmem:$0x16280] =	vst v63  }
0x33: {  	_ =	swait.ge [sflag:s23], $0x20  }
0x34: {  	[sflag:s23] =	ssyncset.done $0x0  }
0x35: {  	[sflag:s23] =	ssyncadd.s32 $0xFFFFFFE0  }
0x36: {  	v4 =	vld [tilespmem:$0x6180];
	_ =	sdelay $0x4  }
0x37: {  	v5 =	vshll.u32 v4, $0x3  }
0x38: {  	v4 =	vand.u32 $0x7, v4;
	v5 =	vand.u32 $0xFFFFFFC0, v5  }
0x39: {  	v4 =	vor.u32 v4, v5  }
0x3a: {  	v5 =	vperm.xlane v4, v1;
	_ =	sdelay $0x1  }
0x3b: {  	v5 =	vadd.s32 v2, v5;
	_ =	sdelay $0x4  }
0x3c: {  	[tilespmem:s30], [sflag:$0x1] =	stream.indirect_vreg.gather [hbm4b:s1+s3], $0x80, v5, vm0, $0xb8;
	[tilespmem:$0x16280] =	vst v63  }
0x3d: {  	v4 =	vperm.xlane v4, v3  }
0x3e: {  	[tilespmem:s5], [sflag:$0x1] =	stream.indirect_vreg.gather [hbm4b:s12+s3], $0x80, v5, vm0, $0xb8;
	[tilespmem:$0x16280] =	vst v63  }
0x3f: {  	v4 =	vadd.s32 v2, v4  }
0x40: {  	[tilespmem:s6], [sflag:$0x1] =	stream.indirect_vreg.gather [hbm4b:s13+s3], $0x80, v5, vm0, $0xb8;
	[tilespmem:$0x16280] =	vst v63  }
0x41: {  	s16 =	simm.s32 $0x7A80  }
0x42: {  	[tilespmem:s16], [sflag:$0x1] =	stream.indirect_vreg.gather [hbm4b:s14+s3], $0x80, v5, vm0, $0xb8;
	[tilespmem:$0x16280] =	vst v63  }
0x43: {  	_ = 	snop  }
0x44: {  	[tilespmem:s28], [sflag:$0x1] =	stream.indirect_vreg.gather [hbm4b:s1+s3], $0x80, v4, vm0, $0xb8;
	[tilespmem:$0x16280] =	vst v63  }
0x45: {  	_ = 	snop  }
0x46: {  	[tilespmem:s7], [sflag:$0x1] =	stream.indirect_vreg.gather [hbm4b:s12+s3], $0x80, v4, vm0, $0xb8;
	[tilespmem:$0x16280] =	vst v63  }
0x47: {  	_ = 	snop  }
0x48: {  	[tilespmem:s8], [sflag:$0x1] =	stream.indirect_vreg.gather [hbm4b:s13+s3], $0x80, v4, vm0, $0xb8;
	[tilespmem:$0x16280] =	vst v63  }
0x49: {  	_ = 	snop  }
0x4a: {  	[tilespmem:s9], [sflag:$0x1] =	stream.indirect_vreg.gather [hbm4b:s14+s3], $0x80, v4, vm0, $0xb8;
	[tilespmem:$0x16280] =	vst v63  }
0x4b: {  	v4 =	vld [tilespmem:$0x6190];
	_ =	sdelay $0x4  }
0x4c: {  	v5 =	vshll.u32 v4, $0x3  }
0x4d: {  	v4 =	vand.u32 $0x7, v4;
	v5 =	vand.u32 $0xFFFFFFC0, v5  }
0x4e: {  	v4 =	vor.u32 v4, v5  }
0x4f: {  	v5 =	vperm.xlane v4, v1;
	_ =	sdelay $0x1  }
0x50: {  	v5 =	vadd.s32 v2, v5;
	_ =	sdelay $0x4  }
0x51: {  	[tilespmem:s10], [sflag:$0x1] =	stream.indirect_vreg.gather [hbm4b:s1+s3], $0x80, v5, vm0, $0xb8;
	[tilespmem:$0x16280] =	vst v63  }
0x52: {  	v4 =	vperm.xlane v4, v3  }
0x53: {  	[tilespmem:s29], [sflag:$0x1] =	stream.indirect_vreg.gather [hbm4b:s12+s3], $0x80, v5, vm0, $0xb8;
	[tilespmem:$0x16280] =	vst v63  }
0x54: {  	s17 =	simm.s32 $0xB280;
	v4 =	vadd.s32 v2, v4  }
0x55: {  	[tilespmem:s17], [sflag:$0x1] =	stream.indirect_vreg.gather [hbm4b:s13+s3], $0x80, v5, vm0, $0xb8;
	[tilespmem:$0x16280] =	vst v63  }
0x56: {  	s18 =	simm.s32 $0xBA80  }
0x57: {  	[tilespmem:s18], [sflag:$0x1] =	stream.indirect_vreg.gather [hbm4b:s14+s3], $0x80, v5, vm0, $0xb8;
	[tilespmem:$0x16280] =	vst v63  }
0x58: {  	_ = 	snop  }
0x59: {  	[tilespmem:s19], [sflag:$0x1] =	stream.indirect_vreg.gather [hbm4b:s1+s3], $0x80, v4, vm0, $0xb8;
	[tilespmem:$0x16280] =	vst v63  }
0x5a: {  	s20 =	simm.s32 $0xCA80  }
0x5b: {  	[tilespmem:s20], [sflag:$0x1] =	stream.indirect_vreg.gather [hbm4b:s12+s3], $0x80, v4, vm0, $0xb8;
	[tilespmem:$0x16280] =	vst v63  }
0x5c: {  	s21 =	simm.s32 $0xD280  }
0x5d: {  	[tilespmem:s21], [sflag:$0x1] =	stream.indirect_vreg.gather [hbm4b:s13+s3], $0x80, v4, vm0, $0xb8;
	[tilespmem:$0x16280] =	vst v63  }
0x5e: {  	_ = 	snop  }
0x5f: {  	[tilespmem:s22], [sflag:$0x1] =	stream.indirect_vreg.gather [hbm4b:s14+s3], $0x80, v4, vm0, $0xb8;
	[tilespmem:$0x16280] =	vst v63  }
0x60: {  	s2 =	simm.s32 $0x6200;
	s0 =	rddreg [dreg:$0xd]  }
0x61: {  	[tilespmem:s2], [sflag:$0x2] =	stream.linear.gather [spmem:s0], $0x20, $0x38;
	[tilespmem:$0x16280] =	vst v63  }
0x62: {  	_ =	swait.ge [sflag:s23], $0x20  }
0x63: {  	[sflag:s23] =	ssyncset.done $0x0  }
0x64: {  	[sflag:s23] =	ssyncadd.s32 $0xFFFFFFE0  }
0x65: {  	v4 =	vld [tilespmem:$0x6200];
	_ =	sdelay $0x4  }
0x66: {  	v5 =	vshll.u32 v4, $0x3  }
0x67: {  	v4 =	vand.u32 $0x7, v4;
	v5 =	vand.u32 $0xFFFFFFC0, v5  }
0x68: {  	v4 =	vor.u32 v4, v5  }
0x69: {  	v5 =	vperm.xlane v4, v1;
	_ =	sdelay $0x1  }
0x6a: {  	v5 =	vadd.s32 v2, v5;
	_ =	sdelay $0x3  }
0x6b: {  	s2 =	simm.s32 $0xE280  }
0x6c: {  	[tilespmem:s2], [sflag:$0x1] =	stream.indirect_vreg.gather [hbm4b:s1+s3], $0x80, v5, vm0, $0xb8;
	[tilespmem:$0x16280] =	vst v63  }
0x6d: {  	s0 =	simm.s32 $0xEA80;
	v4 =	vperm.xlane v4, v3  }
0x6e: {  	[tilespmem:s0], [sflag:$0x1] =	stream.indirect_vreg.gather [hbm4b:s12+s3], $0x80, v5, vm0, $0xb8;
	[tilespmem:$0x16280] =	vst v63  }
0x6f: {  	v4 =	vadd.s32 v2, v4;
	s0 =	simm.s32 $0xF280  }
0x70: {  	[tilespmem:s0], [sflag:$0x1] =	stream.indirect_vreg.gather [hbm4b:s13+s3], $0x80, v5, vm0, $0xb8;
	[tilespmem:$0x16280] =	vst v63  }
0x71: {  	s0 =	simm.s32 $0xFA80  }
0x72: {  	[tilespmem:s0], [sflag:$0x1] =	stream.indirect_vreg.gather [hbm4b:s14+s3], $0x80, v5, vm0, $0xb8;
	[tilespmem:$0x16280] =	vst v63  }
0x73: {  	s0 =	simm.s32 $0x10280  }
0x74: {  	[tilespmem:s0], [sflag:$0x1] =	stream.indirect_vreg.gather [hbm4b:s1+s3], $0x80, v4, vm0, $0xb8;
	[tilespmem:$0x16280] =	vst v63  }
0x75: {  	s0 =	simm.s32 $0x10A80  }
0x76: {  	[tilespmem:s0], [sflag:$0x1] =	stream.indirect_vreg.gather [hbm4b:s12+s3], $0x80, v4, vm0, $0xb8;
	[tilespmem:$0x16280] =	vst v63  }
0x77: {  	_ = 	snop  }
0x78: {  	[tilespmem:s31], [sflag:$0x1] =	stream.indirect_vreg.gather [hbm4b:s13+s3], $0x80, v4, vm0, $0xb8;
	[tilespmem:$0x16280] =	vst v63  }
0x79: {  	s0 =	simm.s32 $0x11A80  }
0x7a: {  	[tilespmem:s0], [sflag:$0x1] =	stream.indirect_vreg.gather [hbm4b:s14+s3], $0x80, v4, vm0, $0xb8;
	[tilespmem:$0x16280] =	vst v63  }
0x7b: {  	v4 =	vld [tilespmem:$0x6210];
	_ =	sdelay $0x4  }
0x7c: {  	v5 =	vshll.u32 v4, $0x3  }
0x7d: {  	v4 =	vand.u32 $0x7, v4;
	v5 =	vand.u32 $0xFFFFFFC0, v5  }
0x7e: {  	v4 =	vor.u32 v4, v5  }
0x7f: {  	v5 =	vperm.xlane v4, v1;
	_ =	sdelay $0x1  }
0x80: {  	v5 =	vadd.s32 v2, v5;
	_ =	sdelay $0x3  }
0x81: {  	s0 =	simm.s32 $0x12280  }
0x82: {  	[tilespmem:s0], [sflag:$0x1] =	stream.indirect_vreg.gather [hbm4b:s1+s3], $0x80, v5, vm0, $0xb8;
	[tilespmem:$0x16280] =	vst v63  }
0x83: {  	v4 =	vperm.xlane v4, v3;
	s0 =	simm.s32 $0x12A80  }
0x84: {  	[tilespmem:s0], [sflag:$0x1] =	stream.indirect_vreg.gather [hbm4b:s12+s3], $0x80, v5, vm0, $0xb8;
	[tilespmem:$0x16280] =	vst v63  }
0x85: {  	v4 =	vadd.s32 v2, v4;
	s0 =	simm.s32 $0x13280  }
0x86: {  	[tilespmem:s0], [sflag:$0x1] =	stream.indirect_vreg.gather [hbm4b:s13+s3], $0x80, v5, vm0, $0xb8;
	[tilespmem:$0x16280] =	vst v63  }
0x87: {  	s0 =	simm.s32 $0x13A80  }
0x88: {  	[tilespmem:s0], [sflag:$0x1] =	stream.indirect_vreg.gather [hbm4b:s14+s3], $0x80, v5, vm0, $0xb8;
	[tilespmem:$0x16280] =	vst v63  }
0x89: {  	s0 =	simm.s32 $0x14280  }
0x8a: {  	[tilespmem:s0], [sflag:$0x1] =	stream.indirect_vreg.gather [hbm4b:s1+s3], $0x80, v4, vm0, $0xb8;
	[tilespmem:$0x16280] =	vst v63  }
0x8b: {  	s0 =	simm.s32 $0x14A80  }
0x8c: {  	[tilespmem:s0], [sflag:$0x1] =	stream.indirect_vreg.gather [hbm4b:s12+s3], $0x80, v4, vm0, $0xb8;
	[tilespmem:$0x16280] =	vst v63  }
0x8d: {  	s0 =	simm.s32 $0x15280  }
0x8e: {  	[tilespmem:s0], [sflag:$0x1] =	stream.indirect_vreg.gather [hbm4b:s13+s3], $0x80, v4, vm0, $0xb8;
	[tilespmem:$0x16280] =	vst v63  }
0x8f: {  	s0 =	simm.s32 $0x15A80  }
0x90: {  	[tilespmem:s0], [sflag:$0x1] =	stream.indirect_vreg.gather [hbm4b:s14+s3], $0x80, v4, vm0, $0xb8;
	[tilespmem:$0x16280] =	vst v63  }
0x91: {  	_ =	swait.ge [sflag:s11], $0x8000  }
0x92: {  	[sflag:s11] =	ssyncset.done $0x0  }
0x93: {  	s0 =	rddreg [dreg:$0xe];
	[sflag:s11] =	ssyncadd.s32 $0xFFFF8000  }
0x94: {  	[hbm4b:s0+s3] =	stream.linear.scatter [tilespmem:s30], [sflag:$0x2], $0x8000, $0x38;
	[tilespmem:$0x16280] =	vst v63  }
0x95: {  	_ =	swait.ge [sflag:s23], $0x8000  }
0x96: {  	[sflag:s23] =	ssyncset.done $0x0  }
0x97: {  	s0 =	rddreg [dreg:$0xf];
	[sflag:s23] =	ssyncadd.s32 $0xFFFF8000  }
0x98: {  	[tilespmem:s4], [sflag:$0x2] =	stream.linear.gather [spmem:s0], $0x20, $0x38;
	[tilespmem:$0x16280] =	vst v63  }
0x99: {  	_ =	swait.ge [sflag:s23], $0x20  }
0x9a: {  	[sflag:s23] =	ssyncset.done $0x0  }
0x9b: {  	[sflag:s23] =	ssyncadd.s32 $0xFFFFFFE0  }
0x9c: {  	v4 =	vld [tilespmem:$0x6180];
	_ =	sdelay $0x4  }
0x9d: {  	v5 =	vshll.u32 v4, $0x3  }
0x9e: {  	v4 =	vand.u32 $0x7, v4;
	v5 =	vand.u32 $0xFFFFFFC0, v5  }
0x9f: {  	v4 =	vor.u32 v4, v5  }
0xa0: {  	v5 =	vperm.xlane v4, v1;
	_ =	sdelay $0x1  }
0xa1: {  	v5 =	vadd.s32 v2, v5;
	_ =	sdelay $0x4  }
0xa2: {  	[tilespmem:s30], [sflag:$0x1] =	stream.indirect_vreg.gather [hbm4b:s1+s3], $0x80, v5, vm0, $0xb8;
	[tilespmem:$0x16280] =	vst v63  }
0xa3: {  	v4 =	vperm.xlane v4, v3  }
0xa4: {  	[tilespmem:s5], [sflag:$0x1] =	stream.indirect_vreg.gather [hbm4b:s12+s3], $0x80, v5, vm0, $0xb8;
	[tilespmem:$0x16280] =	vst v63  }
0xa5: {  	v4 =	vadd.s32 v2, v4  }
0xa6: {  	[tilespmem:s6], [sflag:$0x1] =	stream.indirect_vreg.gather [hbm4b:s13+s3], $0x80, v5, vm0, $0xb8;
	[tilespmem:$0x16280] =	vst v63  }
0xa7: {  	_ = 	snop  }
0xa8: {  	[tilespmem:s16], [sflag:$0x1] =	stream.indirect_vreg.gather [hbm4b:s14+s3], $0x80, v5, vm0, $0xb8;
	[tilespmem:$0x16280] =	vst v63  }
0xa9: {  	_ = 	snop  }
0xaa: {  	[tilespmem:s28], [sflag:$0x1] =	stream.indirect_vreg.gather [hbm4b:s1+s3], $0x80, v4, vm0, $0xb8;
	[tilespmem:$0x16280] =	vst v63  }
0xab: {  	_ = 	snop  }
0xac: {  	[tilespmem:s7], [sflag:$0x1] =	stream.indirect_vreg.gather [hbm4b:s12+s3], $0x80, v4, vm0, $0xb8;
	[tilespmem:$0x16280] =	vst v63  }
0xad: {  	_ = 	snop  }
0xae: {  	[tilespmem:s8], [sflag:$0x1] =	stream.indirect_vreg.gather [hbm4b:s13+s3], $0x80, v4, vm0, $0xb8;
	[tilespmem:$0x16280] =	vst v63  }
0xaf: {  	_ = 	snop  }
0xb0: {  	[tilespmem:s9], [sflag:$0x1] =	stream.indirect_vreg.gather [hbm4b:s14+s3], $0x80, v4, vm0, $0xb8;
	[tilespmem:$0x16280] =	vst v63  }
0xb1: {  	v4 =	vld [tilespmem:$0x6190];
	_ =	sdelay $0x4  }
0xb2: {  	v5 =	vshll.u32 v4, $0x3  }
0xb3: {  	v4 =	vand.u32 $0x7, v4;
	v5 =	vand.u32 $0xFFFFFFC0, v5  }
0xb4: {  	v4 =	vor.u32 v4, v5  }
0xb5: {  	v5 =	vperm.xlane v4, v1;
	_ =	sdelay $0x1  }
0xb6: {  	v5 =	vadd.s32 v2, v5;
	_ =	sdelay $0x4  }
0xb7: {  	[tilespmem:s10], [sflag:$0x1] =	stream.indirect_vreg.gather [hbm4b:s1+s3], $0x80, v5, vm0, $0xb8;
	[tilespmem:$0x16280] =	vst v63  }
0xb8: {  	v4 =	vperm.xlane v4, v3  }
0xb9: {  	[tilespmem:s29], [sflag:$0x1] =	stream.indirect_vreg.gather [hbm4b:s12+s3], $0x80, v5, vm0, $0xb8;
	[tilespmem:$0x16280] =	vst v63  }
0xba: {  	v4 =	vadd.s32 v2, v4  }
0xbb: {  	[tilespmem:s17], [sflag:$0x1] =	stream.indirect_vreg.gather [hbm4b:s13+s3], $0x80, v5, vm0, $0xb8;
	[tilespmem:$0x16280] =	vst v63  }
0xbc: {  	_ = 	snop  }
0xbd: {  	[tilespmem:s18], [sflag:$0x1] =	stream.indirect_vreg.gather [hbm4b:s14+s3], $0x80, v5, vm0, $0xb8;
	[tilespmem:$0x16280] =	vst v63  }
0xbe: {  	_ = 	snop  }
0xbf: {  	[tilespmem:s19], [sflag:$0x1] =	stream.indirect_vreg.gather [hbm4b:s1+s3], $0x80, v4, vm0, $0xb8;
	[tilespmem:$0x16280] =	vst v63  }
0xc0: {  	_ = 	snop  }
0xc1: {  	[tilespmem:s20], [sflag:$0x1] =	stream.indirect_vreg.gather [hbm4b:s12+s3], $0x80, v4, vm0, $0xb8;
	[tilespmem:$0x16280] =	vst v63  }
0xc2: {  	_ = 	snop  }
0xc3: {  	[tilespmem:s21], [sflag:$0x1] =	stream.indirect_vreg.gather [hbm4b:s13+s3], $0x80, v4, vm0, $0xb8;
	[tilespmem:$0x16280] =	vst v63  }
0xc4: {  	_ = 	snop  }
0xc5: {  	[tilespmem:s22], [sflag:$0x1] =	stream.indirect_vreg.gather [hbm4b:s14+s3], $0x80, v4, vm0, $0xb8;
	[tilespmem:$0x16280] =	vst v63  }
0xc6: {  	_ =	swait.ge [sflag:s11], $0x8000  }
0xc7: {  	[sflag:s11] =	ssyncset.done $0x0  }
0xc8: {  	s18 =	rddreg [dreg:$0x10];
	[sflag:s11] =	ssyncadd.s32 $0xFFFF8000  }
0xc9: {  	[hbm4b:s18+s3] =	stream.linear.scatter [tilespmem:s2], [sflag:$0x2], $0x8000, $0x38;
	[tilespmem:$0x16280] =	vst v63  }
0xca: {  	_ =	swait.ge [sflag:s23], $0x8000  }
0xcb: {  	[sflag:s23] =	ssyncset.done $0x0  }
0xcc: {  	s21 =	simm.s32 $0x6200;
	s20 =	rddreg [dreg:$0x11];
	[sflag:s23] =	ssyncadd.s32 $0xFFFF8000  }
0xcd: {  	[tilespmem:s21], [sflag:$0x2] =	stream.linear.gather [spmem:s20], $0x20, $0x38;
	[tilespmem:$0x16280] =	vst v63  }
0xce: {  	_ =	swait.ge [sflag:s23], $0x20  }
0xcf: {  	[sflag:s23] =	ssyncset.done $0x0  }
0xd0: {  	[sflag:s23] =	ssyncadd.s32 $0xFFFFFFE0  }
0xd1: {  	v4 =	vld [tilespmem:$0x6200];
	_ =	sdelay $0x4  }
0xd2: {  	v5 =	vshll.u32 v4, $0x3  }
0xd3: {  	v4 =	vand.u32 $0x7, v4;
	v5 =	vand.u32 $0xFFFFFFC0, v5  }
0xd4: {  	v4 =	vor.u32 v4, v5  }
0xd5: {  	v5 =	vperm.xlane v4, v1;
	_ =	sdelay $0x1  }
0xd6: {  	v5 =	vadd.s32 v2, v5;
	_ =	sdelay $0x4  }
0xd7: {  	[tilespmem:s2], [sflag:$0x1] =	stream.indirect_vreg.gather [hbm4b:s1+s3], $0x80, v5, vm0, $0xb8;
	[tilespmem:$0x16280] =	vst v63  }
0xd8: {  	s16 =	simm.s32 $0xEA80;
	v4 =	vperm.xlane v4, v3  }
0xd9: {  	[tilespmem:s16], [sflag:$0x1] =	stream.indirect_vreg.gather [hbm4b:s12+s3], $0x80, v5, vm0, $0xb8;
	[tilespmem:$0x16280] =	vst v63  }
0xda: {  	s17 =	simm.s32 $0xF280;
	v4 =	vadd.s32 v2, v4  }
0xdb: {  	[tilespmem:s17], [sflag:$0x1] =	stream.indirect_vreg.gather [hbm4b:s13+s3], $0x80, v5, vm0, $0xb8;
	[tilespmem:$0x16280] =	vst v63  }
0xdc: {  	s18 =	simm.s32 $0xFA80  }
0xdd: {  	[tilespmem:s18], [sflag:$0x1] =	stream.indirect_vreg.gather [hbm4b:s14+s3], $0x80, v5, vm0, $0xb8;
	[tilespmem:$0x16280] =	vst v63  }
0xde: {  	s20 =	simm.s32 $0x10280  }
0xdf: {  	[tilespmem:s20], [sflag:$0x1] =	stream.indirect_vreg.gather [hbm4b:s1+s3], $0x80, v4, vm0, $0xb8;
	[tilespmem:$0x16280] =	vst v63  }
0xe0: {  	s21 =	simm.s32 $0x10A80  }
0xe1: {  	[tilespmem:s21], [sflag:$0x1] =	stream.indirect_vreg.gather [hbm4b:s12+s3], $0x80, v4, vm0, $0xb8;
	[tilespmem:$0x16280] =	vst v63  }
0xe2: {  	_ = 	snop  }
0xe3: {  	[tilespmem:s31], [sflag:$0x1] =	stream.indirect_vreg.gather [hbm4b:s13+s3], $0x80, v4, vm0, $0xb8;
	[tilespmem:$0x16280] =	vst v63  }
0xe4: {  	s4 =	simm.s32 $0x11A80  }
0xe5: {  	[tilespmem:s4], [sflag:$0x1] =	stream.indirect_vreg.gather [hbm4b:s14+s3], $0x80, v4, vm0, $0xb8;
	[tilespmem:$0x16280] =	vst v63  }
0xe6: {  	v4 =	vld [tilespmem:$0x6210];
	_ =	sdelay $0x4  }
0xe7: {  	v5 =	vshll.u32 v4, $0x3  }
0xe8: {  	v4 =	vand.u32 $0x7, v4;
	v5 =	vand.u32 $0xFFFFFFC0, v5  }
0xe9: {  	v4 =	vor.u32 v4, v5  }
0xea: {  	v5 =	vperm.xlane v4, v1;
	_ =	sdelay $0x1  }
0xeb: {  	v5 =	vadd.s32 v2, v5;
	_ =	sdelay $0x3  }
0xec: {  	s16 =	simm.s32 $0x12280  }
0xed: {  	[tilespmem:s16], [sflag:$0x1] =	stream.indirect_vreg.gather [hbm4b:s1+s3], $0x80, v5, vm0, $0xb8;
	[tilespmem:$0x16280] =	vst v63  }
0xee: {  	s17 =	simm.s32 $0x12A80;
	v4 =	vperm.xlane v4, v3  }
0xef: {  	[tilespmem:s17], [sflag:$0x1] =	stream.indirect_vreg.gather [hbm4b:s12+s3], $0x80, v5, vm0, $0xb8;
	[tilespmem:$0x16280] =	vst v63  }
0xf0: {  	s18 =	simm.s32 $0x13280;
	v4 =	vadd.s32 v2, v4  }
0xf1: {  	[tilespmem:s18], [sflag:$0x1] =	stream.indirect_vreg.gather [hbm4b:s13+s3], $0x80, v5, vm0, $0xb8;
	[tilespmem:$0x16280] =	vst v63  }
0xf2: {  	s20 =	simm.s32 $0x13A80  }
0xf3: {  	[tilespmem:s20], [sflag:$0x1] =	stream.indirect_vreg.gather [hbm4b:s14+s3], $0x80, v5, vm0, $0xb8;
	[tilespmem:$0x16280] =	vst v63  }
0xf4: {  	s21 =	simm.s32 $0x14280  }
0xf5: {  	[tilespmem:s21], [sflag:$0x1] =	stream.indirect_vreg.gather [hbm4b:s1+s3], $0x80, v4, vm0, $0xb8;
	[tilespmem:$0x16280] =	vst v63  }
0xf6: {  	s4 =	simm.s32 $0x14A80  }
0xf7: {  	[tilespmem:s4], [sflag:$0x1] =	stream.indirect_vreg.gather [hbm4b:s12+s3], $0x80, v4, vm0, $0xb8;
	[tilespmem:$0x16280] =	vst v63  }
0xf8: {  	s16 =	simm.s32 $0x15280  }
0xf9: {  	[tilespmem:s16], [sflag:$0x1] =	stream.indirect_vreg.gather [hbm4b:s13+s3], $0x80, v4, vm0, $0xb8;
	[tilespmem:$0x16280] =	vst v63  }
0xfa: {  	s17 =	simm.s32 $0x15A80  }
0xfb: {  	[tilespmem:s17], [sflag:$0x1] =	stream.indirect_vreg.gather [hbm4b:s14+s3], $0x80, v4, vm0, $0xb8;
	[tilespmem:$0x16280] =	vst v63  }
0xfc: {  	_ =	swait.ge [sflag:s11], $0x8000  }
0xfd: {  	[sflag:s11] =	ssyncset.done $0x0  }
0xfe: {  	s18 =	rddreg [dreg:$0x12];
	[sflag:s11] =	ssyncadd.s32 $0xFFFF8000  }
0xff: {  	[hbm4b:s18+s3] =	stream.linear.scatter [tilespmem:s30], [sflag:$0x2], $0x8000, $0x38;
	[tilespmem:$0x16280] =	vst v63  }
0x100: {  	_ =	swait.ge [sflag:s23], $0x8000  }
0x101: {  	[sflag:s23] =	ssyncset.done $0x0  }
0x102: {  	[sflag:s23] =	ssyncadd.s32 $0xFFFF8000  }
0x103: {  	_ =	swait.ge [sflag:s11], $0x8000  }
0x104: {  	[sflag:s11] =	ssyncset.done $0x0  }
0x105: {  	s20 =	rddreg [dreg:$0x13];
	[sflag:s11] =	ssyncadd.s32 $0xFFFF8000  }
0x106: {  	[hbm4b:s20+s3] =	stream.linear.scatter [tilespmem:s2], [sflag:$0x2], $0x8000, $0x38;
	[tilespmem:$0x16280] =	vst v63  }
0x107: {  	_ =	swait.ge [sflag:s23], $0x8000  }
0x108: {  	s15 =	sadd.s32 $0x1, s15;
	s21 =	rddreg [dreg:$0x14]  }
0x109: {  	p2 =	sne.s32 s15, s21  }
.Ltmp1:
0x10a: {  	_ = 	snop;
	(pc) =	sbr.rel @!p2 .LBB2_6-.Ltmp1, $3  }
0x10b: {  	_ =	sdelay $0x1  }
0x10c: {  	[sflag:s23] =	ssyncset.done $0x0  }
0x10d: {  	[sflag:s23] =	ssyncadd.s32 $0xFFFF8000  }
.LBB2_1:
.Ltmp2:
0x10e: {  	(pc) =	sbr.rel @p0 .LBB2_5-.Ltmp2, $1  }
0x10f: {  	_ =	sdelay $0x3  }
0x110: {  	s16 =	simm.s32 $0x0;
	s17 =	rddreg [dreg:$0x5]  }
0x111: {  	[tilespmem:s16], [sflag:$0x2] =	stream.linear.gather [hbm4b:s17+s16], $0x1000, $0x38;
	[tilespmem:$0x16280] =	vst v63  }
0x112: {  	_ =	swait.ge [sflag:s23], $0x1000  }
0x113: {  	[sflag:s23] =	ssyncset.done $0x0  }
0x114: {  	s17 =	simm.s32 $0x1000;
	s18 =	rddreg [dreg:$0x6];
	[sflag:s23] =	ssyncadd.s32 $0xFFFFF000  }
0x115: {  	[tilespmem:s17], [sflag:$0x2] =	stream.linear.gather [hbm4b:s18+s16], $0x1000, $0x38;
	[tilespmem:$0x16280] =	vst v63  }
0x116: {  	_ =	swait.ge [sflag:s23], $0x1000  }
0x117: {  	[sflag:s23] =	ssyncset.done $0x0  }
0x118: {  	s18 =	simm.s32 $0x2000;
	s20 =	rddreg [dreg:$0x7];
	[sflag:s23] =	ssyncadd.s32 $0xFFFFF000  }
0x119: {  	[tilespmem:s18], [sflag:$0x2] =	stream.linear.gather [hbm4b:s20+s16], $0x1000, $0x38;
	[tilespmem:$0x16280] =	vst v63  }
0x11a: {  	_ =	swait.ge [sflag:s23], $0x1000  }
0x11b: {  	[sflag:s23] =	ssyncset.done $0x0  }
0x11c: {  	s21 =	rddreg [dreg:$0x8];
	[sflag:s23] =	ssyncadd.s32 $0xFFFFF000  }
0x11d: {  	[tilespmem:s24], [sflag:$0x2] =	stream.linear.gather [hbm4b:s21+s16], $0x80, $0x38;
	[tilespmem:$0x16280] =	vst v63  }
0x11e: {  	_ =	swait.ge [sflag:s23], $0x80  }
0x11f: {  	[sflag:s23] =	ssyncset.done $0x0  }
0x120: {  	[sflag:s23] =	ssyncadd.s32 $0xFFFFFF80  }
0x121: {  	v4 =	vld [tilespmem:$0x3000];
	_ =	sdelay $0x4  }
0x122: {  	(xrf0) =	vadd.scan.msk.s32 $0xffff, v4;
	_ =	sdelay $0x5  }
0x123: {  	v5, _, _ =	vpop (xrf0)  }
0x124: {  	v4 =	vsub.s32 v5, v4  }
0x125: {  	s20 =	simm.s32 $0x5080;
	s21 =	simm.s32 $0x0;
	[tilespmem:$0x3000] =	vst v4  }
.LBB2_3:
0x126: {  	v4 =	vld [tilespmem:s17+$0x0];
	_ =	sdelay $0x6  }
0x127: {  	v5 =	vld [tilespmem:s16+$0x0]  }
0x128: {  	v4 =	vld.idx.msk [tilespmem:v4+s24+$0x0], $0xffff;
	_ =	sdelay $0x4  }
0x129: {  	v4 =	vadd.s32 v4, v5;
	_ =	sdelay $0x3  }
0x12a: {  	v5 =	vor.u32 s21, v0;
	[tilespmem:s20+$0x0] =	vst v4  }
0x12b: {  	[tilespmem:v4+s25+$0x0] =	vst.idx.msk $0xffff, v5  }
0x12c: {  	p2 =	sne.s32 s21, $0xFF0;
	v5 =	vld [tilespmem:s18+$0x0]  }
.Ltmp3:
0x12d: {  	_ = 	snop;
	(pc) =	sbr.rel @p2 .LBB2_3-.Ltmp3, $3  }
0x12e: {  	_ =	sdelay $0x1  }
0x12f: {  	s17 =	sadd.s32 $0x10, s17;
	s16 =	sadd.s32 $0x10, s16  }
0x130: {  	s21 =	sadd.s32 $0x10, s21;
	s20 =	sadd.s32 $0x10, s20;
	s18 =	sadd.s32 $0x10, s18;
	[tilespmem:v4+s26+$0x0] =	vst.idx.msk $0xffff, v5  }
.Ltmp4:
0x131: {  	_ = 	snop;
	(pc) =	sbr.rel .LBB2_4-.Ltmp4, $1  }
0x132: {  	_ =	sdelay $0x3  }
.LBB2_6:
0x133: {  	_ =	sfence.sel $0x180000  }
0x134: {  	[bflag:$0x0] =	sbarrier.arrive $0xFFFF  }
0x135: {  	_ =	strace $0x90000047  }
0x136: {  	[bflag:$0x2] =	sbarrier.arrive $0xFFFF  }
0x137: {  	s0 =	rddreg [dreg:$0x4]  }
0x138: {  	s0 =	sadd.s32 @!p0 $0x100000, s0  }
0x139: {  	[sflag:s0] =	ssyncadd.tile.s32 @!p0 $0x1;
	_ =	shalt  }
.Lfunc_end2:
_tile_overlayer_lowered:
.L_overlay_start_2:
0x13a: {  	(tag) =	ssettag $0x2  }
0x13b: {  	s0 =	rddreg [dreg:$0x0];
	s2 =	stileid.u32  }
0x13c: {  	s1 =	rddreg [dreg:$0x1];
	p0 =	sne.s32 s2, $0x0  }
0x13d: {  	s3 =	rddreg [dreg:$0x2];
	[bflag:$0x3] =	sbarrier.arrive $0xFFFF;
	s2 =	simm.s32 @!p0 $0x1C02  }
0x13e: {  	[timem:s3], [sflag:s2] =	dma.local @!p0 [hbm:s0], s1  }
0x13f: {  	s0 =	simm.s32 @!p0 $0x2  }
0x140: {  	_ =	swait.ge @!p0 [sflag:s0], s1  }
0x141: {  	s1 =	ssub.s32 @!p0 $0x0, s1;
	[sflag:s0] =	ssyncset.done @!p0 $0x0  }
0x142: {  	[sflag:s0] =	ssyncadd.s32 @!p0 s1  }
0x143: {  	[bflag:$0x3] =	sbarrier.arrive $0xFFFF  }
0x144: {  	_ =	shalt  }

// kernel: kernel.9.cloned.1.call-start
scs
__scs_entry_jumppad:
0x0: {  	(pc) =	sbr.rel $0x88, $3  }
0x1: {  	(tag) =	ssettag $0x0;
	lr =	simm.s32 $0x1  }
0x2: {  	[smem:$0x3F9C] =	sst lr;
	_ =	strace $0xD0000000  }
0x3: {  	_ = 	snop  }
0x4: {  	_ = 	snop  }
0x5: {  	_ = 	snop  }
0x6: {  	_ = 	snop  }
0x7: {  	_ = 	snop  }
__scs_overlays_trampoline_lowered:
0x8: {  	[smem:$0x3FAB] =	sst s0  }
0x9: {  	[smem:$0x3FAC] =	sst s1  }
0xa: {  	[smem:$0x3FAD] =	sst s2  }
0xb: {  	[smem:$0x3FAE] =	sst s3  }
0xc: {  	[smem:$0x3FAF] =	sst s4  }
0xd: {  	[smem:$0x3FB0] =	sst s5  }
0xe: {  	[smem:$0x3FB1] =	sst s6  }
0xf: {  	[smem:$0x3FB2] =	sst s7  }
0x10: {  	[smem:$0x3FB3] =	sst s8  }
0x11: {  	[smem:$0x3FB4] =	sst s9;
	s0 =	simm.s32 @!p0 $0x0  }
0x12: {  	s1 =	sld [smem:$0x3F9A];
	s0 =	simm.s32 @p0 $0x1  }
0x13: {  	[smem:$0x3FB5] =	sst s0;
	s0 =	simm.s32 @!p1 $0x0  }
0x14: {  	s2 =	sld [smem:$0x3F99];
	s0 =	simm.s32 @p1 $0x1  }
0x15: {  	[smem:$0x3FB6] =	sst s0;
	s0 =	simm.s32 @!p2 $0x0  }
0x16: {  	s3 =	sld [smem:$0x3FDB];
	s0 =	simm.s32 @p2 $0x1  }
0x17: {  	s4 =	simm.s32 $0x1BF5;
	[smem:$0x3FB8] =	sst s0  }
0x18: {  	s0 =	sld [smem:$0x3F9B];
	_ =	swait.ge [sflag:s4], $0x0  }
0x19: {  	s7 =	sld [smem:$0x3F9C]  }
0x1a: {  	s8 =	sadd.s32 $0xFFFFE003, lr  }
0x1b: {  	s9 =	sadd.s32 $0xFFFFFEF7, lr;
	s5 =	simm.s32 $0xFFFFFFFF;
	p2 =	slt.u32 s8, $0xFFFFF086  }
0x1c: {  	p1 =	slt.u32 s9, $0xF7A;
	s5 =	simm.s32 @!p2 $0x0  }
0x1d: {  	s5 =	simm.s32 @p1 $0x1;
	p0 =	seq.s32 s7, s2  }
0x1e: {  	s7 =	smul.u32 @!p0 $0xF7A, s2;
	p2 =	seq.s32 @!p0 s5, $0x0  }
0x1f: {  	s9 =	smul.u32 $0xF7A, s1;
	s8 =	simm.s32 @!p0 $0x1BF5;
	p2 =	por !p2, p0  }
0x20: {  	[sflag:s8] =	ssyncset.s32 @!p0 $0xFFFFF086;
	s6 =	sadd.s32 @!p0 s3, s7;
	s7 =	simm.s32 @!p0 $0x108  }
0x21: {  	s3 =	sadd.s32 s3, s9;
	s6 =	sadd.s32 @!p0 $0x88, s6;
	s7 =	simm.s32 @p2 $0x1082  }
0x22: {  	[simem:s7], [sflag:s8] =	dma.local @!p0 [hbm:s6], $0xF7A  }
0x23: {  	s9 =	sor.u32 $0xD0000000, s2;
	s6 =	simm.s32 $0x108;
	_ =	swait.ge @!p0 [sflag:s8], $0x0  }
0x24: {  	s3 =	sadd.s32 $0x88, s3;
	s6 =	simm.s32 @!p1 $0x1082;
	[sflag:s4] =	ssyncset.s32 $0xFFFFF086  }
0x25: {  	[simem:s6], [sflag:s4] =	dma.local [hbm:s3], $0xF7A  }
0x26: {  	[smem:$0x3F9C] =	sst s1;
	(tag) =	ssettag s2;
	_ =	strace s9  }
0x27: {  	s1 =	sld [smem:$0x3FAC]  }
0x28: {  	s2 =	sld [smem:$0x3FAD]  }
0x29: {  	s4 =	sld [smem:$0x3FAF]  }
0x2a: {  	p0 =	seq.s32 s5, $0x0;
	s5 =	sld [smem:$0x3FB0]  }
0x2b: {  	s6 =	sld [smem:$0x3FB1]  }
0x2c: {  	s7 =	sld [smem:$0x3FB2]  }
0x2d: {  	s3 =	simm.s32 $0x108;
	s8 =	sld [smem:$0x3FB3]  }
0x2e: {  	s3 =	simm.s32 @!p0 $0x1082;
	s9 =	sld [smem:$0x3FB4]  }
0x2f: {  	lr =	sadd.s32 s0, s3;
	s0 =	sld [smem:$0x3FAB]  }
0x30: {  	s3 =	sld [smem:$0x3FAE]  }
0x31: {  	[smem:$0x3FB7] =	sst s10  }
0x32: {  	s10 =	sld [smem:$0x3FB5];
	_ =	sdelay $0x3  }
0x33: {  	p0 =	seq.s32 s10, $0x1;
	s10 =	sld [smem:$0x3FB7];
	_ =	sdelay $0x3  }
0x34: {  	[smem:$0x3FB7] =	sst s10  }
0x35: {  	s10 =	sld [smem:$0x3FB6];
	_ =	sdelay $0x3  }
0x36: {  	p1 =	seq.s32 s10, $0x1;
	s10 =	sld [smem:$0x3FB7];
	_ =	sdelay $0x3  }
0x37: {  	[smem:$0x3FB7] =	sst s10  }
0x38: {  	s10 =	sld [smem:$0x3FB8]  }
0x39: {  	_ = 	snop;
	(pc) =	sbr.ind lr, $3  }
0x3a: {  	_ = 	snop  }
0x3b: {  	_ = 	snop  }
0x3c: {  	p2 =	seq.s32 s10, $0x1;
	s10 =	sld [smem:$0x3FB7]  }
0x3d: {  	_ =	shalt  }
0x3e: {  	_ =	shalt  }
0x3f: {  	_ =	shalt  }
0x40: {  	_ =	shalt  }
0x41: {  	_ =	shalt  }
0x42: {  	_ =	shalt  }
0x43: {  	_ =	shalt  }
0x44: {  	_ =	shalt  }
0x45: {  	_ =	shalt  }
0x46: {  	_ =	shalt  }
0x47: {  	_ =	shalt  }
0x48: {  	_ =	shalt  }
0x49: {  	_ =	shalt  }
0x4a: {  	_ =	shalt  }
0x4b: {  	_ =	shalt  }
0x4c: {  	_ =	shalt  }
0x4d: {  	_ =	shalt  }
0x4e: {  	_ =	shalt  }
0x4f: {  	_ =	shalt  }
0x50: {  	_ =	shalt  }
0x51: {  	_ =	shalt  }
0x52: {  	_ =	shalt  }
0x53: {  	_ =	shalt  }
0x54: {  	_ =	shalt  }
0x55: {  	_ =	shalt  }
0x56: {  	_ =	shalt  }
0x57: {  	_ =	shalt  }
0x58: {  	_ =	shalt  }
0x59: {  	_ =	shalt  }
0x5a: {  	_ =	shalt  }
0x5b: {  	_ =	shalt  }
0x5c: {  	_ =	shalt  }
0x5d: {  	_ =	shalt  }
0x5e: {  	_ =	shalt  }
0x5f: {  	_ =	shalt  }
0x60: {  	_ =	shalt  }
0x61: {  	_ =	shalt  }
0x62: {  	_ =	shalt  }
0x63: {  	_ =	shalt  }
0x64: {  	_ =	shalt  }
0x65: {  	_ =	shalt  }
0x66: {  	_ =	shalt  }
0x67: {  	_ =	shalt  }
0x68: {  	_ =	shalt  }
0x69: {  	_ =	shalt  }
0x6a: {  	_ =	shalt  }
0x6b: {  	_ =	shalt  }
0x6c: {  	_ =	shalt  }
0x6d: {  	_ =	shalt  }
0x6e: {  	_ =	shalt  }
0x6f: {  	_ =	shalt  }
0x70: {  	_ =	shalt  }
0x71: {  	_ =	shalt  }
0x72: {  	_ =	shalt  }
0x73: {  	_ =	shalt  }
0x74: {  	_ =	shalt  }
0x75: {  	_ =	shalt  }
0x76: {  	_ =	shalt  }
0x77: {  	_ =	shalt  }
0x78: {  	_ =	shalt  }
0x79: {  	_ =	shalt  }
0x7a: {  	_ =	shalt  }
0x7b: {  	_ =	shalt  }
0x7c: {  	_ =	shalt  }
0x7d: {  	_ =	shalt  }
0x7e: {  	_ =	shalt  }
0x7f: {  	_ =	shalt  }
0x80: {  	_ =	shalt  }
0x81: {  	_ =	shalt  }
0x82: {  	_ =	shalt  }
0x83: {  	_ =	shalt  }
0x84: {  	_ =	shalt  }
0x85: {  	_ =	shalt  }
0x86: {  	_ =	shalt  }
0x87: {  	_ =	shalt  }
.Lfunc_end0:
.L_simem_size_0:
called_computation.1_lowered:
.L_overlay_start_0:
0x88: {  	s2 =	sld [smem:$0x3FD9]  }
0x89: {  	s3 =	sld [smem:$0x3FFE];
	_ =	sdelay $0x1  }
0x8a: {  	s1 =	srdreg.scid  }
0x8b: {  	s0 =	sand.u32 $0x1, s1  }
0x8c: {  	s17 =	sshll.u32 s0, $0xA;
	s2 =	sadd.s32 s3, s2  }
0x8d: {  	s2 =	sadd.s32 s2, s17  }
0x8e: {  	[smem:$0x3FC3] =	sst s2  }
0x8f: {  	_ = 	snop  }
0x90: {  	s2 =	sld [smem:$0x3FD0];
	(tm) =	ssettm $0x1  }
0x91: {  	s18 =	sld [smem:$0x3FFB];
	_ =	sdelay $0x3  }
0x92: {  	_ =	strace s18  }
0x93: {  	s3 =	sld [smem:$0x3FFC];
	_ =	sdelay $0x3  }
0x94: {  	_ =	strace s3  }
0x95: {  	s3 =	sld [smem:$0x3FFD];
	_ =	sdelay $0x3  }
0x96: {  	_ =	strace s3  }
0x97: {  	_ =	strace $0x8FFFFFFF  }
0x98: {  	s19 =	sld [smem:$0x3FDB];
	_ =	sdelay $0x1  }
0x99: {  	s4 =	simm.s32 $_scs_section_size  }
0x9a: {  	s5 =	simm.s32 $_size__tile_overlayer_lowered;
	s6 =	simm.s32 $_tile_overlayer_lowered  }
0x9b: {  	s22 =	simm.s32 $0x1BFF;
	s21 =	sshll.u32 s6, $0x1;
	s3 =	sadd.s32 s4, s19  }
0x9c: {  	s7 =	simm.s32 $0x0;
	s20 =	sshll.u32 s5, $0x1;
	s5 =	sadd.s32 s21, s3  }
0x9d: {  	[timem:s7], [sflag:s22] =	dma.local [hbm:s5], s20  }
0x9e: {  	_ =	swait.ge [sflag:s22], s20  }
0x9f: {  	s4 =	ssub.s32 $0x0, s20;
	[sflag:s22] =	ssyncset.done $0x0  }
0xa0: {  	[sflag:s22] =	ssyncadd.s32 s4;
	_ =	sdelay $0x1  }
0xa1: {  	s23 =	simm.s32 $0x1B8B  }
0xa2: {  	_ =	swait.ge [sflag:s23], $0x1  }
0xa3: {  	[sflag:s23] =	ssyncset.done $0x0  }
0xa4: {  	s25 =	simm.s32 $0x1B8E;
	s24 =	sld [smem:$0x3FFE];
	[sflag:s23] =	ssyncadd.s32 $0xFFFFFFFF  }
0xa5: {  	s26 =	simm.s32 $execute0_lowered;
	[smem:$0x3FD2] =	sst s25  }
0xa6: {  	s5 =	sshll.u32 s26, $0x1;
	_ =	strace $0x80000049;
	[dreg:$0x1] =	wrdreg $0xFFFFFFFF  }
0xa7: {  	s28 =	simm.s32 $_size_execute0_lowered;
	s3 =	sadd.s32 s3, s5;
	[dreg:$0x0] =	wrdreg $0x0  }
0xa8: {  	s5 =	sshll.u32 s28, $0x1;
	[dreg:$0x2] =	wrdreg s3  }
0xa9: {  	[dreg:$0x3] =	wrdreg s5  }
0xaa: {  	[dreg:$0x4] =	wrdreg $0xC0  }
0xab: {  	_ =	task [dreg:s7], $0x5FFFF  }
0xac: {  	[dreg:$0x1] =	wrdreg $0xFFFFFFFF  }
0xad: {  	[dreg:$0x0] =	wrdreg $0x60  }
0xae: {  	[dreg:$0x2] =	wrdreg s24  }
0xaf: {  	[dreg:$0x3] =	wrdreg s2  }
0xb0: {  	[dreg:$0x4] =	wrdreg $0x9  }
0xb1: {  	_ =	task.clear_ibuf [dreg:s7], $0x5FFFF;
	_ =	strace $0x90000049  }
0xb2: {  	s29 =	simm.s32 $0x9;
	_ =	strace $0x8000004B  }
0xb3: {  	_ =	swait.ge [sflag:s29], $0x1  }
0xb4: {  	[sflag:s29] =	ssyncadd.s32 $0xFFFFFFFF  }
0xb5: {  	_ =	strace $0x9000004B  }
0xb6: {  	_ =	sfence  }
0xb7: {  	s30 =	sld [smem:$0x0];
	_ =	sdelay $0x2  }
0xb8: {  	s31 =	sshll.u32 s1, $0xD;
	s1 =	sshrl.u32 s1, $0x2  }
0xb9: {  	s3 =	sand.u32 $0x4000, s31;
	s1 =	sadd.s32 s1, s30  }
0xba: {  	s0 =	sor.u32 s3, s0;
	s1 =	sshll.u32 s1, $0x11  }
0xbb: {  	s0 =	sor.u32 s1, s0  }
0xbc: {  	s0 =	sadd.s32 $0x8F2B, s0  }
0xbd: {  	[sflag:s0] =	ssyncadd.remote.s32 $0x1  }
0xbe: {  	_ =	sfence.sel $0xFFFF  }
0xbf: {  	[dreg:$0x0] =	wrdreg $0xFFFFFFFF;
	(pc) =	sbr.abs _section_cstart, $3  }
0xc0: {  	[dreg:$0x1] =	wrdreg $0xFFFFFFFF  }
0xc1: {  	_ =	task.clear_ibuf [dreg:s7], $0x2FFFF;
	_ =	strace $0x9FFFFFFF  }
0xc2: {  	(tm) =	ssettm $0x7FFFFFFF  }
0xc3: {  	_ =	shalt  }
tec
execute0_lowered:
.L_overlay_start_1:
0x0: {  	(tag) =	ssettag $0x1  }
0x1: {  	s0 =	rddreg [dreg:$0x0]  }
0x2: {  	s1 =	rddreg [dreg:$0x1];
	s2 =	simm.s32 $0x0;
	s3 =	srdreg.scid  }
0x3: {  	s5 =	stileid.u32;
	s28 =	simm.s32 $0x3100;
	s29 =	simm.s32 $0x3900  }
0x4: {  	s30 =	simm.s32 $0x4100;
	s31 =	simm.s32 $0x4900;
	s11 =	simm.s32 $0x6900  }
0x5: {  	s12 =	simm.s32 $0x7100;
	s13 =	simm.s32 $0x7900;
	s14 =	simm.s32 $0x80  }
0x6: {  	s15 =	simm.s32 $0x8900;
	s16 =	simm.s32 $0x9100;
	[smem:$0x7FF] =	sst s2  }
0x7: {  	s4 =	sand.u32 $0x1, s3;
	s5 =	sshll.u32 s5, $0x8;
	s3 =	sadd.s32 $0x2000, s0  }
0x8: {  	s7 =	sadd.s32 $0x1E00, s0;
	s6 =	sshll.u32 s4, $0x7;
	s4 =	ssub.s32 $0x2, s4  }
0x9: {  	_ =	strace $0x8000004A;
	s5 =	sor.u32 s6, s5;
	s9 =	sshrl.u32 s4, $0x1  }
0xa: {  	s6 =	sshrl.u32 s5, $0x3;
	s8 =	sor.u32 $0x20, s5;
	s18 =	sshll.u32 s5, $0x7  }
0xb: {  	s20 =	sor.u32 $0x40, s5;
	s9 =	ssub.s32 s4, s9;
	s5 =	sor.u32 $0x60, s5  }
0xc: {  	s6 =	sadd.s32 s7, s6;
	s10 =	sshrl.u32 s8, $0x3;
	s19 =	sadd.s32 s1, s18  }
0xd: {  	s21 =	sshrl.u32 s20, $0x3;
	s22 =	sshll.u32 s8, $0x7;
	s24 =	sshrl.u32 s5, $0x3  }
0xe: {  	s26 =	sshll.u32 s20, $0x7;
	s5 =	sshll.u32 s5, $0x7;
	s8 =	simm.s32 $0x2  }
0xf: {  	s18 =	simm.s32 $0xA100;
	[dreg:$0x3] =	wrdreg s6;
	s17 =	sadd.s32 s7, s10  }
0x10: {  	[dreg:$0x5] =	wrdreg s19;
	s4 =	sadd.s32 s7, s21;
	s23 =	sadd.s32 s1, s22  }
0x11: {  	s25 =	sadd.s32 s7, s24;
	s6 =	sadd.s32 s1, s26;
	s1 =	sadd.s32 s1, s5  }
0x12: {  	s5 =	sadd.s32 $0x2200, s0;
	s7 =	smax.u32 s9, $0x1;
	[dreg:$0x4] =	wrdreg s17  }
0x13: {  	s19 =	simm.s32 $0x1;
	s26 =	simm.s32 $0x100;
	[dreg:$0x6] =	wrdreg s4  }
0x14: {  	s21 =	simm.s32 $0x900;
	s22 =	simm.s32 $0x1100;
	[dreg:$0x7] =	wrdreg s23  }
0x15: {  	s24 =	simm.s32 $0x2100;
	s9 =	simm.s32 $0x5100;
	[dreg:$0x8] =	wrdreg s25  }
0x16: {  	v2 =	vlaneseq.u32;
	s10 =	simm.s32 $0x6100;
	s4 =	sadd.s32 $0x2100, s0;
	[dreg:$0x9] =	wrdreg s6  }
0x17: {  	vm0 =	vmmov $0xffff;
	v1 =	vshrl.u32 v2, $0x3;
	s6 =	sadd.s32 $0x2300, s0;
	[dreg:$0xa] =	wrdreg s1;
	s23 =	simm.s32 $0x1900  }
0x18: {  	v0 =	vand.u32 $0x7, v2;
	v2 =	vor.u32 $0x8, v2;
	v1 =	vmul.u32 $0x8, v1;
	s25 =	simm.s32 $0x2900;
	s0 =	simm.s32 $0x8100;
	s17 =	simm.s32 $0x9900  }
.LBB2_1:
0x19: {  	s20 =	rddreg [dreg:$0x3]  }
0x1a: {  	[tilespmem:s2], [sflag:$0x2] =	stream.linear.gather [hbm4b:s20+s2], $0x20, $0x38;
	[tilespmem:$0x10100] =	vst v63  }
0x1b: {  	_ =	swait.ge [sflag:s8], $0x20  }
0x1c: {  	[sflag:s8] =	ssyncset.done $0x0  }
0x1d: {  	[sflag:s8] =	ssyncadd.s32 $0xFFFFFFE0  }
0x1e: {  	v3 =	vld [tilespmem:$0x0];
	_ =	sdelay $0x4  }
0x1f: {  	v4 =	vshll.u32 v3, $0x3  }
0x20: {  	v3 =	vand.u32 $0x7, v3;
	v4 =	vand.u32 $0xFFFFFFC0, v4  }
0x21: {  	v3 =	vor.u32 v3, v4  }
0x22: {  	v4 =	vperm.xlane v3, v0;
	_ =	sdelay $0x1  }
0x23: {  	v4 =	vadd.s32 v1, v4;
	_ =	sdelay $0x4  }
0x24: {  	[tilespmem:s26], [sflag:$0x1] =	stream.indirect_vreg.gather [hbm4b:s3+s2], $0x80, v4, vm0, $0xb8;
	[tilespmem:$0x10100] =	vst v63  }
0x25: {  	v3 =	vperm.xlane v3, v2  }
0x26: {  	[tilespmem:s21], [sflag:$0x1] =	stream.indirect_vreg.gather [hbm4b:s4+s2], $0x80, v4, vm0, $0xb8;
	[tilespmem:$0x10100] =	vst v63  }
0x27: {  	v3 =	vadd.s32 v1, v3  }
0x28: {  	[tilespmem:s22], [sflag:$0x1] =	stream.indirect_vreg.gather [hbm4b:s5+s2], $0x80, v4, vm0, $0xb8;
	[tilespmem:$0x10100] =	vst v63  }
0x29: {  	_ = 	snop  }
0x2a: {  	[tilespmem:s23], [sflag:$0x1] =	stream.indirect_vreg.gather [hbm4b:s6+s2], $0x80, v4, vm0, $0xb8;
	[tilespmem:$0x10100] =	vst v63  }
0x2b: {  	_ = 	snop  }
0x2c: {  	[tilespmem:s24], [sflag:$0x1] =	stream.indirect_vreg.gather [hbm4b:s3+s2], $0x80, v3, vm0, $0xb8;
	[tilespmem:$0x10100] =	vst v63  }
0x2d: {  	_ = 	snop  }
0x2e: {  	[tilespmem:s25], [sflag:$0x1] =	stream.indirect_vreg.gather [hbm4b:s4+s2], $0x80, v3, vm0, $0xb8;
	[tilespmem:$0x10100] =	vst v63  }
0x2f: {  	_ = 	snop  }
0x30: {  	[tilespmem:s28], [sflag:$0x1] =	stream.indirect_vreg.gather [hbm4b:s5+s2], $0x80, v3, vm0, $0xb8;
	[tilespmem:$0x10100] =	vst v63  }
0x31: {  	_ = 	snop  }
0x32: {  	[tilespmem:s29], [sflag:$0x1] =	stream.indirect_vreg.gather [hbm4b:s6+s2], $0x80, v3, vm0, $0xb8;
	[tilespmem:$0x10100] =	vst v63  }
0x33: {  	v3 =	vld [tilespmem:$0x10];
	_ =	sdelay $0x4  }
0x34: {  	v57 =	vshll.u32 v3, $0x3  }
0x35: {  	v3 =	vand.u32 $0x7, v3;
	v4 =	vand.u32 $0xFFFFFFC0, v57  }
0x36: {  	v3 =	vor.u32 v3, v4  }
0x37: {  	v4 =	vperm.xlane v3, v0;
	_ =	sdelay $0x1  }
0x38: {  	v4 =	vadd.s32 v1, v4;
	_ =	sdelay $0x4  }
0x39: {  	[tilespmem:s30], [sflag:$0x1] =	stream.indirect_vreg.gather [hbm4b:s3+s2], $0x80, v4, vm0, $0xb8;
	[tilespmem:$0x10100] =	vst v63  }
0x3a: {  	v3 =	vperm.xlane v3, v2  }
0x3b: {  	[tilespmem:s31], [sflag:$0x1] =	stream.indirect_vreg.gather [hbm4b:s4+s2], $0x80, v4, vm0, $0xb8;
	[tilespmem:$0x10100] =	vst v63  }
0x3c: {  	v3 =	vadd.s32 v1, v3  }
0x3d: {  	[tilespmem:s9], [sflag:$0x1] =	stream.indirect_vreg.gather [hbm4b:s5+s2], $0x80, v4, vm0, $0xb8;
	[tilespmem:$0x10100] =	vst v63  }
0x3e: {  	s1 =	simm.s32 $0x5900  }
0x3f: {  	[tilespmem:s1], [sflag:$0x1] =	stream.indirect_vreg.gather [hbm4b:s6+s2], $0x80, v4, vm0, $0xb8;
	[tilespmem:$0x10100] =	vst v63  }
0x40: {  	_ = 	snop  }
0x41: {  	[tilespmem:s10], [sflag:$0x1] =	stream.indirect_vreg.gather [hbm4b:s3+s2], $0x80, v3, vm0, $0xb8;
	[tilespmem:$0x10100] =	vst v63  }
0x42: {  	_ = 	snop  }
0x43: {  	[tilespmem:s11], [sflag:$0x1] =	stream.indirect_vreg.gather [hbm4b:s4+s2], $0x80, v3, vm0, $0xb8;
	[tilespmem:$0x10100] =	vst v63  }
0x44: {  	_ = 	snop  }
0x45: {  	[tilespmem:s12], [sflag:$0x1] =	stream.indirect_vreg.gather [hbm4b:s5+s2], $0x80, v3, vm0, $0xb8;
	[tilespmem:$0x10100] =	vst v63  }
0x46: {  	_ = 	snop  }
0x47: {  	[tilespmem:s13], [sflag:$0x1] =	stream.indirect_vreg.gather [hbm4b:s6+s2], $0x80, v3, vm0, $0xb8;
	[tilespmem:$0x10100] =	vst v63  }
0x48: {  	s20 =	rddreg [dreg:$0x4]  }
0x49: {  	[tilespmem:s14], [sflag:$0x2] =	stream.linear.gather [hbm4b:s20+s2], $0x20, $0x38;
	[tilespmem:$0x10100] =	vst v63  }
0x4a: {  	_ =	swait.ge [sflag:s8], $0x20  }
0x4b: {  	[sflag:s8] =	ssyncset.done $0x0  }
0x4c: {  	[sflag:s8] =	ssyncadd.s32 $0xFFFFFFE0  }
0x4d: {  	v3 =	vld [tilespmem:$0x80];
	_ =	sdelay $0x4  }
0x4e: {  	v58 =	vshll.u32 v3, $0x3  }
0x4f: {  	v3 =	vand.u32 $0x7, v3;
	v4 =	vand.u32 $0xFFFFFFC0, v58  }
0x50: {  	v3 =	vor.u32 v3, v4  }
0x51: {  	v4 =	vperm.xlane v3, v0;
	_ =	sdelay $0x1  }
0x52: {  	v4 =	vadd.s32 v1, v4;
	_ =	sdelay $0x4  }
0x53: {  	[tilespmem:s0], [sflag:$0x1] =	stream.indirect_vreg.gather [hbm4b:s3+s2], $0x80, v4, vm0, $0xb8;
	[tilespmem:$0x10100] =	vst v63  }
0x54: {  	v3 =	vperm.xlane v3, v2  }
0x55: {  	[tilespmem:s15], [sflag:$0x1] =	stream.indirect_vreg.gather [hbm4b:s4+s2], $0x80, v4, vm0, $0xb8;
	[tilespmem:$0x10100] =	vst v63  }
0x56: {  	v3 =	vadd.s32 v1, v3  }
0x57: {  	[tilespmem:s16], [sflag:$0x1] =	stream.indirect_vreg.gather [hbm4b:s5+s2], $0x80, v4, vm0, $0xb8;
	[tilespmem:$0x10100] =	vst v63  }
0x58: {  	_ = 	snop  }
0x59: {  	[tilespmem:s17], [sflag:$0x1] =	stream.indirect_vreg.gather [hbm4b:s6+s2], $0x80, v4, vm0, $0xb8;
	[tilespmem:$0x10100] =	vst v63  }
0x5a: {  	_ = 	snop  }
0x5b: {  	[tilespmem:s18], [sflag:$0x1] =	stream.indirect_vreg.gather [hbm4b:s3+s2], $0x80, v3, vm0, $0xb8;
	[tilespmem:$0x10100] =	vst v63  }
0x5c: {  	s20 =	simm.s32 $0xA900  }
0x5d: {  	[tilespmem:s20], [sflag:$0x1] =	stream.indirect_vreg.gather [hbm4b:s4+s2], $0x80, v3, vm0, $0xb8;
	[tilespmem:$0x10100] =	vst v63  }
0x5e: {  	s20 =	simm.s32 $0xB100  }
0x5f: {  	[tilespmem:s20], [sflag:$0x1] =	stream.indirect_vreg.gather [hbm4b:s5+s2], $0x80, v3, vm0, $0xb8;
	[tilespmem:$0x10100] =	vst v63  }
0x60: {  	s20 =	simm.s32 $0xB900  }
0x61: {  	[tilespmem:s20], [sflag:$0x1] =	stream.indirect_vreg.gather [hbm4b:s6+s2], $0x80, v3, vm0, $0xb8;
	[tilespmem:$0x10100] =	vst v63  }
0x62: {  	v3 =	vld [tilespmem:$0x90];
	_ =	sdelay $0x4  }
0x63: {  	v59 =	vshll.u32 v3, $0x3  }
0x64: {  	v3 =	vand.u32 $0x7, v3;
	v4 =	vand.u32 $0xFFFFFFC0, v59  }
0x65: {  	v3 =	vor.u32 v3, v4  }
0x66: {  	v4 =	vperm.xlane v3, v0;
	_ =	sdelay $0x1  }
0x67: {  	v4 =	vadd.s32 v1, v4;
	_ =	sdelay $0x3  }
0x68: {  	s20 =	simm.s32 $0xC100  }
0x69: {  	[tilespmem:s20], [sflag:$0x1] =	stream.indirect_vreg.gather [hbm4b:s3+s2], $0x80, v4, vm0, $0xb8;
	[tilespmem:$0x10100] =	vst v63  }
0x6a: {  	v3 =	vperm.xlane v3, v2;
	s20 =	simm.s32 $0xC900  }
0x6b: {  	[tilespmem:s20], [sflag:$0x1] =	stream.indirect_vreg.gather [hbm4b:s4+s2], $0x80, v4, vm0, $0xb8;
	[tilespmem:$0x10100] =	vst v63  }
0x6c: {  	v3 =	vadd.s32 v1, v3;
	s20 =	simm.s32 $0xD100  }
0x6d: {  	[tilespmem:s20], [sflag:$0x1] =	stream.indirect_vreg.gather [hbm4b:s5+s2], $0x80, v4, vm0, $0xb8;
	[tilespmem:$0x10100] =	vst v63  }
0x6e: {  	s20 =	simm.s32 $0xD900  }
0x6f: {  	[tilespmem:s20], [sflag:$0x1] =	stream.indirect_vreg.gather [hbm4b:s6+s2], $0x80, v4, vm0, $0xb8;
	[tilespmem:$0x10100] =	vst v63  }
0x70: {  	s20 =	simm.s32 $0xE100  }
0x71: {  	[tilespmem:s20], [sflag:$0x1] =	stream.indirect_vreg.gather [hbm4b:s3+s2], $0x80, v3, vm0, $0xb8;
	[tilespmem:$0x10100] =	vst v63  }
0x72: {  	s20 =	simm.s32 $0xE900  }
0x73: {  	[tilespmem:s20], [sflag:$0x1] =	stream.indirect_vreg.gather [hbm4b:s4+s2], $0x80, v3, vm0, $0xb8;
	[tilespmem:$0x10100] =	vst v63  }
0x74: {  	s20 =	simm.s32 $0xF100  }
0x75: {  	[tilespmem:s20], [sflag:$0x1] =	stream.indirect_vreg.gather [hbm4b:s5+s2], $0x80, v3, vm0, $0xb8;
	[tilespmem:$0x10100] =	vst v63  }
0x76: {  	s20 =	simm.s32 $0xF900  }
0x77: {  	[tilespmem:s20], [sflag:$0x1] =	stream.indirect_vreg.gather [hbm4b:s6+s2], $0x80, v3, vm0, $0xb8;
	[tilespmem:$0x10100] =	vst v63  }
0x78: {  	_ =	swait.ge [sflag:s19], $0x8000  }
0x79: {  	[sflag:s19] =	ssyncset.done $0x0  }
0x7a: {  	s20 =	rddreg [dreg:$0x5];
	[sflag:s19] =	ssyncadd.s32 $0xFFFF8000  }
0x7b: {  	[hbm4b:s20+s2] =	stream.linear.scatter [tilespmem:s26], [sflag:$0x2], $0x8000, $0x38;
	[tilespmem:$0x10100] =	vst v63  }
0x7c: {  	_ =	swait.ge [sflag:s8], $0x8000  }
0x7d: {  	[sflag:s8] =	ssyncset.done $0x0  }
0x7e: {  	s20 =	rddreg [dreg:$0x6];
	[sflag:s8] =	ssyncadd.s32 $0xFFFF8000  }
0x7f: {  	[tilespmem:s2], [sflag:$0x2] =	stream.linear.gather [hbm4b:s20+s2], $0x20, $0x38;
	[tilespmem:$0x10100] =	vst v63  }
0x80: {  	_ =	swait.ge [sflag:s8], $0x20  }
0x81: {  	[sflag:s8] =	ssyncset.done $0x0  }
0x82: {  	[sflag:s8] =	ssyncadd.s32 $0xFFFFFFE0  }
0x83: {  	v3 =	vld [tilespmem:$0x0];
	_ =	sdelay $0x4  }
0x84: {  	v60 =	vshll.u32 v3, $0x3  }
0x85: {  	v3 =	vand.u32 $0x7, v3;
	v4 =	vand.u32 $0xFFFFFFC0, v60  }
0x86: {  	v3 =	vor.u32 v3, v4  }
0x87: {  	v4 =	vperm.xlane v3, v0;
	_ =	sdelay $0x1  }
0x88: {  	v4 =	vadd.s32 v1, v4;
	_ =	sdelay $0x4  }
0x89: {  	[tilespmem:s26], [sflag:$0x1] =	stream.indirect_vreg.gather [hbm4b:s3+s2], $0x80, v4, vm0, $0xb8;
	[tilespmem:$0x10100] =	vst v63  }
0x8a: {  	v3 =	vperm.xlane v3, v2  }
0x8b: {  	[tilespmem:s21], [sflag:$0x1] =	stream.indirect_vreg.gather [hbm4b:s4+s2], $0x80, v4, vm0, $0xb8;
	[tilespmem:$0x10100] =	vst v63  }
0x8c: {  	v3 =	vadd.s32 v1, v3  }
0x8d: {  	[tilespmem:s22], [sflag:$0x1] =	stream.indirect_vreg.gather [hbm4b:s5+s2], $0x80, v4, vm0, $0xb8;
	[tilespmem:$0x10100] =	vst v63  }
0x8e: {  	_ = 	snop  }
0x8f: {  	[tilespmem:s23], [sflag:$0x1] =	stream.indirect_vreg.gather [hbm4b:s6+s2], $0x80, v4, vm0, $0xb8;
	[tilespmem:$0x10100] =	vst v63  }
0x90: {  	_ = 	snop  }
0x91: {  	[tilespmem:s24], [sflag:$0x1] =	stream.indirect_vreg.gather [hbm4b:s3+s2], $0x80, v3, vm0, $0xb8;
	[tilespmem:$0x10100] =	vst v63  }
0x92: {  	_ = 	snop  }
0x93: {  	[tilespmem:s25], [sflag:$0x1] =	stream.indirect_vreg.gather [hbm4b:s4+s2], $0x80, v3, vm0, $0xb8;
	[tilespmem:$0x10100] =	vst v63  }
0x94: {  	_ = 	snop  }
0x95: {  	[tilespmem:s28], [sflag:$0x1] =	stream.indirect_vreg.gather [hbm4b:s5+s2], $0x80, v3, vm0, $0xb8;
	[tilespmem:$0x10100] =	vst v63  }
0x96: {  	_ = 	snop  }
0x97: {  	[tilespmem:s29], [sflag:$0x1] =	stream.indirect_vreg.gather [hbm4b:s6+s2], $0x80, v3, vm0, $0xb8;
	[tilespmem:$0x10100] =	vst v63  }
0x98: {  	v3 =	vld [tilespmem:$0x10];
	_ =	sdelay $0x4  }
0x99: {  	v61 =	vshll.u32 v3, $0x3  }
0x9a: {  	v3 =	vand.u32 $0x7, v3;
	v4 =	vand.u32 $0xFFFFFFC0, v61  }
0x9b: {  	v3 =	vor.u32 v3, v4  }
0x9c: {  	v4 =	vperm.xlane v3, v0;
	_ =	sdelay $0x1  }
0x9d: {  	v4 =	vadd.s32 v1, v4;
	_ =	sdelay $0x4  }
0x9e: {  	[tilespmem:s30], [sflag:$0x1] =	stream.indirect_vreg.gather [hbm4b:s3+s2], $0x80, v4, vm0, $0xb8;
	[tilespmem:$0x10100] =	vst v63  }
0x9f: {  	v3 =	vperm.xlane v3, v2  }
0xa0: {  	[tilespmem:s31], [sflag:$0x1] =	stream.indirect_vreg.gather [hbm4b:s4+s2], $0x80, v4, vm0, $0xb8;
	[tilespmem:$0x10100] =	vst v63  }
0xa1: {  	v3 =	vadd.s32 v1, v3  }
0xa2: {  	[tilespmem:s9], [sflag:$0x1] =	stream.indirect_vreg.gather [hbm4b:s5+s2], $0x80, v4, vm0, $0xb8;
	[tilespmem:$0x10100] =	vst v63  }
0xa3: {  	_ = 	snop  }
0xa4: {  	[tilespmem:s1], [sflag:$0x1] =	stream.indirect_vreg.gather [hbm4b:s6+s2], $0x80, v4, vm0, $0xb8;
	[tilespmem:$0x10100] =	vst v63  }
0xa5: {  	_ = 	snop  }
0xa6: {  	[tilespmem:s10], [sflag:$0x1] =	stream.indirect_vreg.gather [hbm4b:s3+s2], $0x80, v3, vm0, $0xb8;
	[tilespmem:$0x10100] =	vst v63  }
0xa7: {  	_ = 	snop  }
0xa8: {  	[tilespmem:s11], [sflag:$0x1] =	stream.indirect_vreg.gather [hbm4b:s4+s2], $0x80, v3, vm0, $0xb8;
	[tilespmem:$0x10100] =	vst v63  }
0xa9: {  	_ = 	snop  }
0xaa: {  	[tilespmem:s12], [sflag:$0x1] =	stream.indirect_vreg.gather [hbm4b:s5+s2], $0x80, v3, vm0, $0xb8;
	[tilespmem:$0x10100] =	vst v63  }
0xab: {  	_ = 	snop  }
0xac: {  	[tilespmem:s13], [sflag:$0x1] =	stream.indirect_vreg.gather [hbm4b:s6+s2], $0x80, v3, vm0, $0xb8;
	[tilespmem:$0x10100] =	vst v63  }
0xad: {  	_ =	swait.ge [sflag:s19], $0x8000  }
0xae: {  	[sflag:s19] =	ssyncset.done $0x0  }
0xaf: {  	s1 =	rddreg [dreg:$0x7];
	[sflag:s19] =	ssyncadd.s32 $0xFFFF8000  }
0xb0: {  	[hbm4b:s1+s2] =	stream.linear.scatter [tilespmem:s0], [sflag:$0x2], $0x8000, $0x38;
	[tilespmem:$0x10100] =	vst v63  }
0xb1: {  	_ =	swait.ge [sflag:s8], $0x8000  }
0xb2: {  	[sflag:s8] =	ssyncset.done $0x0  }
0xb3: {  	s1 =	rddreg [dreg:$0x8];
	[sflag:s8] =	ssyncadd.s32 $0xFFFF8000  }
0xb4: {  	[tilespmem:s14], [sflag:$0x2] =	stream.linear.gather [hbm4b:s1+s2], $0x20, $0x38;
	[tilespmem:$0x10100] =	vst v63  }
0xb5: {  	_ =	swait.ge [sflag:s8], $0x20  }
0xb6: {  	[sflag:s8] =	ssyncset.done $0x0  }
0xb7: {  	[sflag:s8] =	ssyncadd.s32 $0xFFFFFFE0  }
0xb8: {  	v3 =	vld [tilespmem:$0x80];
	_ =	sdelay $0x4  }
0xb9: {  	v62 =	vshll.u32 v3, $0x3  }
0xba: {  	v3 =	vand.u32 $0x7, v3;
	v4 =	vand.u32 $0xFFFFFFC0, v62  }
0xbb: {  	v3 =	vor.u32 v3, v4  }
0xbc: {  	v4 =	vperm.xlane v3, v0;
	_ =	sdelay $0x1  }
0xbd: {  	v4 =	vadd.s32 v1, v4;
	_ =	sdelay $0x4  }
0xbe: {  	[tilespmem:s0], [sflag:$0x1] =	stream.indirect_vreg.gather [hbm4b:s3+s2], $0x80, v4, vm0, $0xb8;
	[tilespmem:$0x10100] =	vst v63  }
0xbf: {  	v3 =	vperm.xlane v3, v2  }
0xc0: {  	[tilespmem:s15], [sflag:$0x1] =	stream.indirect_vreg.gather [hbm4b:s4+s2], $0x80, v4, vm0, $0xb8;
	[tilespmem:$0x10100] =	vst v63  }
0xc1: {  	v3 =	vadd.s32 v1, v3  }
0xc2: {  	[tilespmem:s16], [sflag:$0x1] =	stream.indirect_vreg.gather [hbm4b:s5+s2], $0x80, v4, vm0, $0xb8;
	[tilespmem:$0x10100] =	vst v63  }
0xc3: {  	_ = 	snop  }
0xc4: {  	[tilespmem:s17], [sflag:$0x1] =	stream.indirect_vreg.gather [hbm4b:s6+s2], $0x80, v4, vm0, $0xb8;
	[tilespmem:$0x10100] =	vst v63  }
0xc5: {  	_ = 	snop  }
0xc6: {  	[tilespmem:s18], [sflag:$0x1] =	stream.indirect_vreg.gather [hbm4b:s3+s2], $0x80, v3, vm0, $0xb8;
	[tilespmem:$0x10100] =	vst v63  }
0xc7: {  	s20 =	simm.s32 $0xA900  }
0xc8: {  	[tilespmem:s20], [sflag:$0x1] =	stream.indirect_vreg.gather [hbm4b:s4+s2], $0x80, v3, vm0, $0xb8;
	[tilespmem:$0x10100] =	vst v63  }
0xc9: {  	s20 =	simm.s32 $0xB100  }
0xca: {  	[tilespmem:s20], [sflag:$0x1] =	stream.indirect_vreg.gather [hbm4b:s5+s2], $0x80, v3, vm0, $0xb8;
	[tilespmem:$0x10100] =	vst v63  }
0xcb: {  	s20 =	simm.s32 $0xB900  }
0xcc: {  	[tilespmem:s20], [sflag:$0x1] =	stream.indirect_vreg.gather [hbm4b:s6+s2], $0x80, v3, vm0, $0xb8;
	[tilespmem:$0x10100] =	vst v63  }
0xcd: {  	v3 =	vld [tilespmem:$0x90];
	_ =	sdelay $0x4  }
0xce: {  	v63 =	vshll.u32 v3, $0x3  }
0xcf: {  	v3 =	vand.u32 $0x7, v3;
	v4 =	vand.u32 $0xFFFFFFC0, v63  }
0xd0: {  	v3 =	vor.u32 v3, v4  }
0xd1: {  	v4 =	vperm.xlane v3, v0;
	_ =	sdelay $0x1  }
0xd2: {  	v4 =	vadd.s32 v1, v4;
	_ =	sdelay $0x3  }
0xd3: {  	s20 =	simm.s32 $0xC100  }
0xd4: {  	[tilespmem:s20], [sflag:$0x1] =	stream.indirect_vreg.gather [hbm4b:s3+s2], $0x80, v4, vm0, $0xb8;
	[tilespmem:$0x10100] =	vst v63  }
0xd5: {  	v3 =	vperm.xlane v3, v2;
	s20 =	simm.s32 $0xC900  }
0xd6: {  	[tilespmem:s20], [sflag:$0x1] =	stream.indirect_vreg.gather [hbm4b:s4+s2], $0x80, v4, vm0, $0xb8;
	[tilespmem:$0x10100] =	vst v63  }
0xd7: {  	v3 =	vadd.s32 v1, v3;
	s20 =	simm.s32 $0xD100  }
0xd8: {  	[tilespmem:s20], [sflag:$0x1] =	stream.indirect_vreg.gather [hbm4b:s5+s2], $0x80, v4, vm0, $0xb8;
	[tilespmem:$0x10100] =	vst v63  }
0xd9: {  	s20 =	simm.s32 $0xD900  }
0xda: {  	[tilespmem:s20], [sflag:$0x1] =	stream.indirect_vreg.gather [hbm4b:s6+s2], $0x80, v4, vm0, $0xb8;
	[tilespmem:$0x10100] =	vst v63  }
0xdb: {  	s20 =	simm.s32 $0xE100  }
0xdc: {  	[tilespmem:s20], [sflag:$0x1] =	stream.indirect_vreg.gather [hbm4b:s3+s2], $0x80, v3, vm0, $0xb8;
	[tilespmem:$0x10100] =	vst v63  }
0xdd: {  	s20 =	simm.s32 $0xE900  }
0xde: {  	[tilespmem:s20], [sflag:$0x1] =	stream.indirect_vreg.gather [hbm4b:s4+s2], $0x80, v3, vm0, $0xb8;
	[tilespmem:$0x10100] =	vst v63  }
0xdf: {  	s20 =	simm.s32 $0xF100  }
0xe0: {  	[tilespmem:s20], [sflag:$0x1] =	stream.indirect_vreg.gather [hbm4b:s5+s2], $0x80, v3, vm0, $0xb8;
	[tilespmem:$0x10100] =	vst v63  }
0xe1: {  	s20 =	simm.s32 $0xF900  }
0xe2: {  	[tilespmem:s20], [sflag:$0x1] =	stream.indirect_vreg.gather [hbm4b:s6+s2], $0x80, v3, vm0, $0xb8;
	[tilespmem:$0x10100] =	vst v63  }
0xe3: {  	_ =	swait.ge [sflag:s19], $0x8000  }
0xe4: {  	[sflag:s19] =	ssyncset.done $0x0  }
0xe5: {  	s1 =	rddreg [dreg:$0x9];
	[sflag:s19] =	ssyncadd.s32 $0xFFFF8000  }
0xe6: {  	[hbm4b:s1+s2] =	stream.linear.scatter [tilespmem:s26], [sflag:$0x2], $0x8000, $0x38;
	[tilespmem:$0x10100] =	vst v63  }
0xe7: {  	_ =	swait.ge [sflag:s8], $0x8000  }
0xe8: {  	[sflag:s8] =	ssyncset.done $0x0  }
0xe9: {  	[sflag:s8] =	ssyncadd.s32 $0xFFFF8000  }
0xea: {  	_ =	swait.ge [sflag:s19], $0x8000  }
0xeb: {  	p0 =	sne.s32 s7, $0x1;
	[sflag:s19] =	ssyncset.done $0x0  }
.Ltmp0:
0xec: {  	s1 =	rddreg [dreg:$0xa];
	[sflag:s19] =	ssyncadd.s32 $0xFFFF8000;
	(pc) =	sbr.rel @p0 .LBB2_1-.Ltmp0, $4  }
0xed: {  	[hbm4b:s1+s2] =	stream.linear.scatter [tilespmem:s0], [sflag:$0x2], $0x8000, $0x38;
	[tilespmem:$0x10100] =	vst v63  }
0xee: {  	_ =	swait.ge [sflag:s8], $0x8000  }
0xef: {  	[sflag:s8] =	ssyncset.done $0x0  }
0xf0: {  	s7 =	sadd.s32 $0xFFFFFFFF, s7;
	[sflag:s8] =	ssyncadd.s32 $0xFFFF8000  }
0xf1: {  	_ =	sfence.sel $0x180000  }
0xf2: {  	[bflag:$0x0] =	sbarrier.arrive $0xFFFF  }
0xf3: {  	_ =	strace $0x9000004A  }
0xf4: {  	s0 =	stileid.u32;
	[bflag:$0x2] =	sbarrier.arrive $0xFFFF  }
0xf5: {  	p0 =	sne.s32 s0, $0x0;
	s0 =	rddreg [dreg:$0x2]  }
0xf6: {  	s0 =	sadd.s32 @!p0 $0x100000, s0  }
0xf7: {  	[sflag:s0] =	ssyncadd.tile.s32 @!p0 $0x1;
	_ =	shalt  }
.Lfunc_end2:
_tile_overlayer_lowered:
.L_overlay_start_2:
0xf8: {  	(tag) =	ssettag $0x2  }
0xf9: {  	s0 =	rddreg [dreg:$0x0];
	s2 =	stileid.u32  }
0xfa: {  	s1 =	rddreg [dreg:$0x1];
	p0 =	sne.s32 s2, $0x0  }
0xfb: {  	s3 =	rddreg [dreg:$0x2];
	[bflag:$0x3] =	sbarrier.arrive $0xFFFF;
	s2 =	simm.s32 @!p0 $0x1C02  }
0xfc: {  	[timem:s3], [sflag:s2] =	dma.local @!p0 [hbm:s0], s1  }
0xfd: {  	s0 =	simm.s32 @!p0 $0x2  }
0xfe: {  	_ =	swait.ge @!p0 [sflag:s0], s1  }
0xff: {  	s1 =	ssub.s32 @!p0 $0x0, s1;
	[sflag:s0] =	ssyncset.done @!p0 $0x0  }
0x100: {  	[sflag:s0] =	ssyncadd.s32 @!p0 s1  }
0x101: {  	[bflag:$0x3] =	sbarrier.arrive $0xFFFF  }
0x102: {  	_ =	shalt  }

</sc_bundles>
